<compile_context>
chip_gen: v7x
topology: tpu7x:2x2x1
jax: 0.10.2.dev20260603
libtpu: 0.0.44.dev20260713+nightly
codegen_flags: <defaults>
</compile_context>

<pallas_src>
import functools

import jax
import jax.numpy as jnp
from jax import lax
from jax.experimental import pallas as pl
from jax.experimental.pallas import tpu as pltpu
from jax.experimental.pallas import tpu_sc as plsc

ALPHA = 0.2
MOM = 0.8

_PREC = lax.Precision.DEFAULT


def _normalize(x):
    n = jnp.sqrt(jnp.sum(x * x, axis=-1, keepdims=True))
    return x / jnp.maximum(n, 1e-12)


def _read_kernel(text_ref, cache_ref, w1_ref, w2_ref, out_ref, loss_ref,
                 *, halves):
    i = pl.program_id(0)
    cache = cache_ref[...]
    hb = text_ref.shape[0] // halves
    part = jnp.zeros((), jnp.float32)
    for hh in range(halves):
        t = text_ref[pl.ds(hh * hb, hb), :]
        base = _normalize(t).astype(jnp.bfloat16)
        s = lax.dot_general(base, cache, (((1,), (1,)), ((), ())),
                            preferred_element_type=jnp.float32,
                            precision=_PREC)
        e32 = jnp.exp(s)
        e = e32.astype(jnp.bfloat16)
        denom = jnp.sum(e32, axis=1, keepdims=True)
        fsum = lax.dot_general(e, cache, (((1,), (0,)), ((), ())),
                               preferred_element_type=jnp.float32,
                               precision=_PREC)
        fine = fsum / denom
        o1 = lax.dot_general(t.astype(jnp.bfloat16), w1_ref[...],
                             (((1,), (1,)), ((), ())),
                             preferred_element_type=jnp.float32,
                             precision=_PREC)
        o2 = lax.dot_general(fine.astype(jnp.bfloat16), w2_ref[...],
                             (((1,), (1,)), ((), ())),
                             preferred_element_type=jnp.float32,
                             precision=_PREC)
        out = ALPHA * (o1 + o2) + t
        out_ref[pl.ds(hh * hb, hb), :] = out
        od = _normalize(out)
        part = part + jnp.sum(jnp.abs(od - t))

    @pl.when(i == 0)
    def _():
        loss_ref[...] = jnp.zeros_like(loss_ref)

    loss_ref[...] += part.reshape(1, 1)


def _stats_kernel(img_ref, cache_ref, swrows_ref, rarg_ref, ecol_ref,
                  wsum_ref, cmax_ref, *, nb, nsteps, halves):
    i = pl.program_id(0)
    cache = cache_ref[...]
    hb = img_ref.shape[0] // halves
    pcmax = None
    cnt = None
    for hh in range(halves):
        t = img_ref[pl.ds(hh * hb, hb), :]
        n = jnp.sqrt(jnp.sum(t * t, axis=1, keepdims=True))
        n = jnp.maximum(n, 1e-12)
        bi = t / n
        s = lax.dot_general(bi.astype(jnp.bfloat16), cache,
                            (((1,), (1,)), ((), ())),
                            preferred_element_type=jnp.float32,
                            precision=_PREC)
        mm = s.shape[1]
        rmax = jnp.max(s, axis=1, keepdims=True)
        jidx = lax.broadcasted_iota(jnp.int32, s.shape, 1)
        rarg = jnp.min(jnp.where(s == rmax, jidx, mm), axis=1)
        swrows_ref[pl.ds(hh * hb, hb), :] = jnp.exp(rmax) * bi
        rarg_ref[0, pl.ds(i * nb + hh * hb, hb)] = rarg
        pm = jnp.max(s, axis=0, keepdims=True)
        ct = jnp.sum(jnp.where(rarg[:, None] == jidx, 1.0, 0.0),
                     axis=0, keepdims=True)
        pcmax = pm if pcmax is None else jnp.maximum(pcmax, pm)
        cnt = ct if cnt is None else cnt + ct

    @pl.when(i == 0)
    def _():
        cmax_ref[...] = pcmax
        wsum_ref[...] = cnt

    @pl.when(i > 0)
    def _():
        cmax_ref[...] = jnp.maximum(cmax_ref[...], pcmax)
        wsum_ref[...] += cnt

    @pl.when(i == nsteps - 1)
    def _():
        ecol_ref[...] = jnp.exp(-cmax_ref[...])


def _sc_scatter_body(swrows_hbm, rarg_hbm, out_hbm,
                     rows, zbuf, idx_a, idx_b, shared,
                     *, m, q, tpt):
    c = lax.axis_index("c")
    sid = lax.axis_index("s")
    base = sid * tpt
    zero16 = jnp.zeros((16,), jnp.float32)

    pltpu.sync_copy(rarg_hbm.at[0, pl.ds(base, 128)], idx_a)
    pltpu.sync_copy(rarg_hbm.at[0, pl.ds(base + 128, 128)], idx_b)

    def zbody(t, carry):
        for r in range(q // 16):
            zbuf[t, pl.ds(r * 16, 16)] = zero16
        return carry

    lax.fori_loop(0, tpt, zbody, 0)

    for h in range(3):
        qi = c * 3 + h

        pltpu.sync_copy(zbuf, shared.at[pl.ds(base, tpt)])

        pltpu.sync_copy(swrows_hbm.at[pl.ds(base, tpt), pl.ds(qi * q, q)],
                        rows)

        plsc.subcore_barrier()

        pltpu.sync_copy(rows.at[pl.ds(0, 128)], shared.at[idx_a], add=True)
        pltpu.sync_copy(rows.at[pl.ds(128, 128)], shared.at[idx_b], add=True)
        plsc.subcore_barrier()

        pltpu.sync_copy(shared.at[pl.ds(base, tpt)],
                        out_hbm.at[qi, pl.ds(base, tpt)])


def _final_kernel(cache_ref, c0_ref, c1_ref, c2_ref, c3_ref, c4_ref, c5_ref,
                  ecol_ref, wsum_ref, upd_ref, *, mb, q):
    i = pl.program_id(0)
    c = cache_ref[...]
    ws = wsum_ref[0, pl.ds(i * mb, mb)]
    ec = ecol_ref[0, pl.ds(i * mb, mb)]
    upd = ws[:, None] > 0
    scale = (1.0 - MOM) * ec[:, None]
    quarters = (c0_ref, c1_ref, c2_ref, c3_ref, c4_ref, c5_ref)
    blended = []
    n2 = jnp.zeros((c.shape[0], 1), jnp.float32)
    for k, qref in enumerate(quarters):
        b = jnp.where(upd, MOM * c[:, k * q:(k + 1) * q]
                      + scale * qref[0], c[:, k * q:(k + 1) * q])
        blended.append(b)
        n2 = n2 + jnp.sum(b * b, axis=1, keepdims=True)
    inv = 1.0 / jnp.maximum(jnp.sqrt(n2), 1e-12)
    for k, b in enumerate(blended):
        upd_ref[:, k * q:(k + 1) * q] = b * inv


def kernel(text_token, image_token, W, cache):
    C, D = text_token.shape
    N = image_token.shape[0]
    M = cache.shape[0]
    CB = 512
    NB = 512
    MB = 512
    Q = D // 6
    TPT = N // 16
    W1 = W[:, :D].astype(jnp.bfloat16)
    W2 = W[:, D:].astype(jnp.bfloat16)
    cache_bf = cache.astype(jnp.bfloat16)

    nsteps = N // NB
    swrows, rarg, ecol, wsum = pl.pallas_call(
        functools.partial(_stats_kernel, nb=NB, nsteps=nsteps, halves=2),
        grid=(nsteps,),
        in_specs=[
            pl.BlockSpec((NB, D), lambda i: (i, 0)),
            pl.BlockSpec((M, D), lambda i: (0, 0)),
        ],
        out_specs=[
            pl.BlockSpec((NB, D), lambda i: (i, 0)),
            pl.BlockSpec((1, N), lambda i: (0, 0)),
            pl.BlockSpec((1, M), lambda i: (0, 0)),
            pl.BlockSpec((1, M), lambda i: (0, 0)),
        ],
        out_shape=[
            jax.ShapeDtypeStruct((N, D), jnp.float32),
            jax.ShapeDtypeStruct((1, N), jnp.int32),
            jax.ShapeDtypeStruct((1, M), jnp.float32),
            jax.ShapeDtypeStruct((1, M), jnp.float32),
        ],
        scratch_shapes=[
            pltpu.VMEM((1, M), jnp.float32),
        ],
    )(image_token, cache_bf)

    sc_scatter = functools.partial(
        pl.kernel,
        mesh=plsc.VectorSubcoreMesh(core_axis_name="c", subcore_axis_name="s"),
        out_type=jax.ShapeDtypeStruct((6, M, Q), jnp.float32),
        scratch_types=[
            pltpu.VMEM((TPT, Q), jnp.float32),
            pltpu.VMEM((TPT, Q), jnp.float32),
            pltpu.VMEM((128,), jnp.int32),
            pltpu.VMEM((128,), jnp.int32),
            pltpu.VMEM_SHARED((M, Q), jnp.float32),
        ],
    )(functools.partial(_sc_scatter_body, m=M, q=Q, tpt=TPT))
    contrib4 = sc_scatter(swrows, rarg)

    out, loss_sum = pl.pallas_call(
        functools.partial(_read_kernel, halves=2),
        grid=(C // CB,),
        in_specs=[
            pl.BlockSpec((CB, D), lambda i: (i, 0)),
            pl.BlockSpec((M, D), lambda i: (0, 0)),
            pl.BlockSpec((D, D), lambda i: (0, 0)),
            pl.BlockSpec((D, D), lambda i: (0, 0)),
        ],
        out_specs=[
            pl.BlockSpec((CB, D), lambda i: (i, 0)),
            pl.BlockSpec((1, 1), lambda i: (0, 0)),
        ],
        out_shape=[
            jax.ShapeDtypeStruct((C, D), jnp.float32),
            jax.ShapeDtypeStruct((1, 1), jnp.float32),
        ],
    )(text_token, cache_bf, W1, W2)
    loss = loss_sum[0, 0] / (C * D)

    updated = pl.pallas_call(
        functools.partial(_final_kernel, mb=MB, q=Q),
        grid=(M // MB,),
        in_specs=[
            pl.BlockSpec((MB, D), lambda i: (i, 0)),
            pl.BlockSpec((1, MB, Q), lambda i: (0, i, 0)),
            pl.BlockSpec((1, MB, Q), lambda i: (1, i, 0)),
            pl.BlockSpec((1, MB, Q), lambda i: (2, i, 0)),
            pl.BlockSpec((1, MB, Q), lambda i: (3, i, 0)),
            pl.BlockSpec((1, MB, Q), lambda i: (4, i, 0)),
            pl.BlockSpec((1, MB, Q), lambda i: (5, i, 0)),
            pl.BlockSpec((1, M), lambda i: (0, 0)),
            pl.BlockSpec((1, M), lambda i: (0, 0)),
        ],
        out_specs=pl.BlockSpec((MB, D), lambda i: (i, 0)),
        out_shape=jax.ShapeDtypeStruct((M, D), jnp.float32),
    )(cache, contrib4, contrib4, contrib4, contrib4, contrib4, contrib4,
      ecol, wsum)

    return (out, loss, updated)

# --- scband reference (transcript-rebuilt; emitter-appended) ---
"""Pipeline reference for scband-memory-91122026152462 (READ-ONLY COPY).

The authoritative reference and input builder live on the scoring server;
editing this copy changes nothing except your own understanding.
"""

import jax, jax.numpy as jnp
import numpy as np

ALPHA = 0.2
MOM = 0.8
C = 4096   # num text tokens/classes
N = 4096   # num image tokens
D = 768    # feature_dim
M = 4096   # memory_size


def _norm(x):
    n = jnp.sqrt(jnp.sum(x * x, axis=-1, keepdims=True))
    return x / jnp.maximum(n, 1e-12)


def setup_inputs(seed: int = 0) -> dict:
    key = jax.random.key(seed)
    k1, k2, k3, k4 = jax.random.split(key, 4)
    text_token = jax.random.normal(k1, (C, D), dtype=jnp.float32)
    image_token = jax.random.normal(k2, (N, D), dtype=jnp.float32)
    # extractor: nn.Linear(2*D, D, bias=False) -> weight [D, 2*D]
    W = jax.random.normal(k3, (D, 2 * D), dtype=jnp.float32) * 0.02
    # text_fine_cache = F.normalize(torch.rand(M, D), dim=-1)
    cache = _norm(jax.random.uniform(k4, (M, D), dtype=jnp.float32))
    return {"text_token": text_token, "image_token": image_token, "W": W, "cache": cache}


def reference(text_token, image_token, W, cache):
    # ---- read(text_token) ----
    base = _norm(text_token)
    score = base @ cache.T                      # [C, M]
    softmax_score_cache = jax.nn.softmax(score, axis=1)
    fine_feature = softmax_score_cache @ cache  # [C, D]
    cat = jnp.concatenate([text_token, fine_feature], axis=-1)  # [C, 2D]
    out = ALPHA * (cat @ W.T) + text_token      # [C, D]
    # training-mode l1 loss
    loss = jnp.mean(jnp.abs(_norm(out) - text_token))
    # ---- write(image_token): scatter-style momentum update of cache ----
    bi = _norm(image_token)                     # [N, D]
    s = bi @ cache.T                            # [N, M]
    sq = jax.nn.softmax(s, axis=0)              # softmax over queries
    smem = jax.nn.softmax(s, axis=1)            # softmax over memory slots
    upd_idx = jnp.argmax(smem, axis=1)          # top-1 slot per token, [N]
    w = sq[jnp.arange(bi.shape[0]), upd_idx] / jnp.max(sq, axis=0)[upd_idx]  # [N]
    contrib = jax.ops.segment_sum(w[:, None] * bi, upd_idx, num_segments=cache.shape[0])  # [M, D]
    counts = jax.ops.segment_sum(jnp.ones((bi.shape[0],), jnp.float32), upd_idx, num_segments=cache.shape[0])
    updated = jnp.where(counts[:, None] > 0, MOM * cache + (1.0 - MOM) * contrib, cache)
    updated = _norm(updated)
    return (out, loss, updated)

if __name__ == "__main__":
    import jax
    _d = setup_inputs()
    print(jax.jit(kernel)(*tuple(_d.values())))

</pallas_src>

<mosaic_0001>
#map = affine_map<(d0, d1) -> (0, 0)>
#map1 = affine_map<(d0, d1) -> (0, 0, 0)>
module attributes {stable_mosaic.version = 14 : i64} {
  func.func @_sc_scatter_body(%arg0: i32, %arg1: i32, %arg2: memref<4096x768xf32, #tpu.memory_space<hbm>>, %arg3: memref<1x4096xi32, #tpu.memory_space<hbm>>, %arg4: memref<6x4096x128xf32, #tpu.memory_space<hbm>>, %arg5: memref<256x128xf32, #tpu.memory_space<vmem>>, %arg6: memref<256x128xf32, #tpu.memory_space<vmem>>, %arg7: memref<128xi32, #tpu.memory_space<vmem>>, %arg8: memref<128xi32, #tpu.memory_space<vmem>>, %arg9: memref<4096x128xf32, #tpu.memory_space<vmem_shared>>) attributes {dimension_semantics = [#tpu.dimension_semantics<core_parallel>, #tpu.dimension_semantics<subcore_parallel>], iteration_bounds = array<i64: 2, 16>, scalar_prefetch = 0 : i64, scratch_operands = 5 : i64, tpu.core_type = #tpu.core_type<sc_vector_subcore>, window_params = [{transform_indices = #map}, {transform_indices = #map}, {transform_indices = #map1}]} {
    %mul3A = arith.constant 256 : i32
    %mul3A_0 = arith.muli %arg1, %mul3A : i32
    %broadcast_in_dim3A = arith.constant 0.000000e+00 : f32
    %broadcast_in_dim3A_1 = vector.broadcast %broadcast_in_dim3A : f32 to vector<16xf32>
    %run_scoped3A = arith.constant 0 : i32
    "tpu.region"() ({
      %run_scoped3A_32 = tpu.sem_alloc : memref<!tpu.dma_semaphore, #tpu.memory_space<semaphore_mem>>
      %dma_start3A = tpu.memref_slice %arg3[%run_scoped3A, %mul3A_0] : memref<1x4096xi32, #tpu.memory_space<hbm>> -> memref<1x128xi32, #tpu.memory_space<hbm>>
      %dma_start3A_33 = tpu.memref_squeeze %dma_start3A : memref<1x128xi32, #tpu.memory_space<hbm>> -> memref<128xi32, #tpu.memory_space<hbm>>
      %dma_start3A_34 = tpu.memref_slice %arg3[%run_scoped3A, %mul3A_0] : memref<1x4096xi32, #tpu.memory_space<hbm>> -> memref<1x128xi32, #tpu.memory_space<hbm>>
      %dma_start3A_35 = tpu.memref_squeeze %dma_start3A_34 : memref<1x128xi32, #tpu.memory_space<hbm>> -> memref<128xi32, #tpu.memory_space<hbm>>
      tpu.enqueue_dma source(%dma_start3A_35 : memref<128xi32, #tpu.memory_space<hbm>>) target(%arg7 : memref<128xi32, #tpu.memory_space<vmem>>) target_semaphore(%run_scoped3A_32 : memref<!tpu.dma_semaphore, #tpu.memory_space<semaphore_mem>>)
      %dma_wait3A = tpu.memref_slice %arg3[%run_scoped3A, %mul3A_0] : memref<1x4096xi32, #tpu.memory_space<hbm>> -> memref<1x128xi32, #tpu.memory_space<hbm>>
      %dma_wait3A_36 = tpu.memref_squeeze %dma_wait3A : memref<1x128xi32, #tpu.memory_space<hbm>> -> memref<128xi32, #tpu.memory_space<hbm>>
      %dma_wait3A_37 = tpu.memref_slice %arg3[%run_scoped3A, %mul3A_0] : memref<1x4096xi32, #tpu.memory_space<hbm>> -> memref<1x128xi32, #tpu.memory_space<hbm>>
      %dma_wait3A_38 = tpu.memref_squeeze %dma_wait3A_37 : memref<1x128xi32, #tpu.memory_space<hbm>> -> memref<128xi32, #tpu.memory_space<hbm>>
      tpu.wait_dma2 semaphore(%run_scoped3A_32 : memref<!tpu.dma_semaphore, #tpu.memory_space<semaphore_mem>>) src(%dma_wait3A_38 : memref<128xi32, #tpu.memory_space<hbm>>) dst(%arg7 : memref<128xi32, #tpu.memory_space<vmem>>)
      tpu.yield
    }) : () -> ()
    %add3A = arith.constant 128 : i32
    %add3A_2 = arith.addi %mul3A_0, %add3A : i32
    %run_scoped3A_3 = arith.constant 0 : i32
    "tpu.region"() ({
      %run_scoped3A_32 = tpu.sem_alloc : memref<!tpu.dma_semaphore, #tpu.memory_space<semaphore_mem>>
      %dma_start3A = tpu.memref_slice %arg3[%run_scoped3A_3, %add3A_2] : memref<1x4096xi32, #tpu.memory_space<hbm>> -> memref<1x128xi32, #tpu.memory_space<hbm>>
      %dma_start3A_33 = tpu.memref_squeeze %dma_start3A : memref<1x128xi32, #tpu.memory_space<hbm>> -> memref<128xi32, #tpu.memory_space<hbm>>
      %dma_start3A_34 = tpu.memref_slice %arg3[%run_scoped3A_3, %add3A_2] : memref<1x4096xi32, #tpu.memory_space<hbm>> -> memref<1x128xi32, #tpu.memory_space<hbm>>
      %dma_start3A_35 = tpu.memref_squeeze %dma_start3A_34 : memref<1x128xi32, #tpu.memory_space<hbm>> -> memref<128xi32, #tpu.memory_space<hbm>>
      tpu.enqueue_dma source(%dma_start3A_35 : memref<128xi32, #tpu.memory_space<hbm>>) target(%arg8 : memref<128xi32, #tpu.memory_space<vmem>>) target_semaphore(%run_scoped3A_32 : memref<!tpu.dma_semaphore, #tpu.memory_space<semaphore_mem>>)
      %dma_wait3A = tpu.memref_slice %arg3[%run_scoped3A_3, %add3A_2] : memref<1x4096xi32, #tpu.memory_space<hbm>> -> memref<1x128xi32, #tpu.memory_space<hbm>>
      %dma_wait3A_36 = tpu.memref_squeeze %dma_wait3A : memref<1x128xi32, #tpu.memory_space<hbm>> -> memref<128xi32, #tpu.memory_space<hbm>>
      %dma_wait3A_37 = tpu.memref_slice %arg3[%run_scoped3A_3, %add3A_2] : memref<1x4096xi32, #tpu.memory_space<hbm>> -> memref<1x128xi32, #tpu.memory_space<hbm>>
      %dma_wait3A_38 = tpu.memref_squeeze %dma_wait3A_37 : memref<1x128xi32, #tpu.memory_space<hbm>> -> memref<128xi32, #tpu.memory_space<hbm>>
      tpu.wait_dma2 semaphore(%run_scoped3A_32 : memref<!tpu.dma_semaphore, #tpu.memory_space<semaphore_mem>>) src(%dma_wait3A_38 : memref<128xi32, #tpu.memory_space<hbm>>) dst(%arg8 : memref<128xi32, #tpu.memory_space<vmem>>)
      tpu.yield
    }) : () -> ()
    %scan3A = arith.constant 0 : i32
    %scan3A_4 = arith.constant 0 : i32
    %scan3A_5 = arith.constant 256 : i32
    %scan3A_6 = arith.addi %scan3A_4, %scan3A_5 : i32
    %scan3A_7 = arith.constant 1 : i32
    scf.for %scan3A_32 = %scan3A_4 to %scan3A_6 step %scan3A_7  : i32 {
      %swap3A = arith.index_cast %scan3A_32 : i32 to index
      %swap3A_33 = arith.constant 0 : index
      %swap3A_34 = tpu.vector_load %arg6[%swap3A, %swap3A_33] {strides = array<i32>} : memref<256x128xf32, #tpu.memory_space<vmem>>, vector<1x16xf32>,
      %swap3A_35 = vector.shape_cast %swap3A_34 : vector<1x16xf32> to vector<16xf32>
      %swap3A_36 = vector.shape_cast %broadcast_in_dim3A_1 : vector<16xf32> to vector<1x16xf32>
      tpu.vector_store %arg6[%swap3A, %swap3A_33], %swap3A_36 {strides = array<i32>} : memref<256x128xf32, #tpu.memory_space<vmem>>, vector<1x16xf32>,
      %swap3A_37 = arith.index_cast %scan3A_32 : i32 to index
      %swap3A_38 = arith.constant 16 : index
      %swap3A_39 = tpu.vector_load %arg6[%swap3A_37, %swap3A_38] {strides = array<i32>} : memref<256x128xf32, #tpu.memory_space<vmem>>, vector<1x16xf32>,
      %swap3A_40 = vector.shape_cast %swap3A_39 : vector<1x16xf32> to vector<16xf32>
      %swap3A_41 = vector.shape_cast %broadcast_in_dim3A_1 : vector<16xf32> to vector<1x16xf32>
      tpu.vector_store %arg6[%swap3A_37, %swap3A_38], %swap3A_41 {strides = array<i32>} : memref<256x128xf32, #tpu.memory_space<vmem>>, vector<1x16xf32>,
      %swap3A_42 = arith.index_cast %scan3A_32 : i32 to index
      %swap3A_43 = arith.constant 32 : index
      %swap3A_44 = tpu.vector_load %arg6[%swap3A_42, %swap3A_43] {strides = array<i32>} : memref<256x128xf32, #tpu.memory_space<vmem>>, vector<1x16xf32>,
      %swap3A_45 = vector.shape_cast %swap3A_44 : vector<1x16xf32> to vector<16xf32>
      %swap3A_46 = vector.shape_cast %broadcast_in_dim3A_1 : vector<16xf32> to vector<1x16xf32>
      tpu.vector_store %arg6[%swap3A_42, %swap3A_43], %swap3A_46 {strides = array<i32>} : memref<256x128xf32, #tpu.memory_space<vmem>>, vector<1x16xf32>,
      %swap3A_47 = arith.index_cast %scan3A_32 : i32 to index
      %swap3A_48 = arith.constant 48 : index
      %swap3A_49 = tpu.vector_load %arg6[%swap3A_47, %swap3A_48] {strides = array<i32>} : memref<256x128xf32, #tpu.memory_space<vmem>>, vector<1x16xf32>,
      %swap3A_50 = vector.shape_cast %swap3A_49 : vector<1x16xf32> to vector<16xf32>
      %swap3A_51 = vector.shape_cast %broadcast_in_dim3A_1 : vector<16xf32> to vector<1x16xf32>
      tpu.vector_store %arg6[%swap3A_47, %swap3A_48], %swap3A_51 {strides = array<i32>} : memref<256x128xf32, #tpu.memory_space<vmem>>, vector<1x16xf32>,
      %swap3A_52 = arith.index_cast %scan3A_32 : i32 to index
      %swap3A_53 = arith.constant 64 : index
      %swap3A_54 = tpu.vector_load %arg6[%swap3A_52, %swap3A_53] {strides = array<i32>} : memref<256x128xf32, #tpu.memory_space<vmem>>, vector<1x16xf32>,
      %swap3A_55 = vector.shape_cast %swap3A_54 : vector<1x16xf32> to vector<16xf32>
      %swap3A_56 = vector.shape_cast %broadcast_in_dim3A_1 : vector<16xf32> to vector<1x16xf32>
      tpu.vector_store %arg6[%swap3A_52, %swap3A_53], %swap3A_56 {strides = array<i32>} : memref<256x128xf32, #tpu.memory_space<vmem>>, vector<1x16xf32>,
      %swap3A_57 = arith.index_cast %scan3A_32 : i32 to index
      %swap3A_58 = arith.constant 80 : index
      %swap3A_59 = tpu.vector_load %arg6[%swap3A_57, %swap3A_58] {strides = array<i32>} : memref<256x128xf32, #tpu.memory_space<vmem>>, vector<1x16xf32>,
      %swap3A_60 = vector.shape_cast %swap3A_59 : vector<1x16xf32> to vector<16xf32>
      %swap3A_61 = vector.shape_cast %broadcast_in_dim3A_1 : vector<16xf32> to vector<1x16xf32>
      tpu.vector_store %arg6[%swap3A_57, %swap3A_58], %swap3A_61 {strides = array<i32>} : memref<256x128xf32, #tpu.memory_space<vmem>>, vector<1x16xf32>,
      %swap3A_62 = arith.index_cast %scan3A_32 : i32 to index
      %swap3A_63 = arith.constant 96 : index
      %swap3A_64 = tpu.vector_load %arg6[%swap3A_62, %swap3A_63] {strides = array<i32>} : memref<256x128xf32, #tpu.memory_space<vmem>>, vector<1x16xf32>,
      %swap3A_65 = vector.shape_cast %swap3A_64 : vector<1x16xf32> to vector<16xf32>
      %swap3A_66 = vector.shape_cast %broadcast_in_dim3A_1 : vector<16xf32> to vector<1x16xf32>
      tpu.vector_store %arg6[%swap3A_62, %swap3A_63], %swap3A_66 {strides = array<i32>} : memref<256x128xf32, #tpu.memory_space<vmem>>, vector<1x16xf32>,
      %swap3A_67 = arith.index_cast %scan3A_32 : i32 to index
      %swap3A_68 = arith.constant 112 : index
      %swap3A_69 = tpu.vector_load %arg6[%swap3A_67, %swap3A_68] {strides = array<i32>} : memref<256x128xf32, #tpu.memory_space<vmem>>, vector<1x16xf32>,
      %swap3A_70 = vector.shape_cast %swap3A_69 : vector<1x16xf32> to vector<16xf32>
      %swap3A_71 = vector.shape_cast %broadcast_in_dim3A_1 : vector<16xf32> to vector<1x16xf32>
      tpu.vector_store %arg6[%swap3A_67, %swap3A_68], %swap3A_71 {strides = array<i32>} : memref<256x128xf32, #tpu.memory_space<vmem>>, vector<1x16xf32>,
    }
    %scan3A_8 = arith.constant 256 : i32
    %mul3A_9 = arith.constant 3 : i32
    %mul3A_10 = arith.muli %arg0, %mul3A_9 : i32
    %add3A_11 = arith.constant 0 : i32
    %add3A_12 = arith.addi %mul3A_10, %add3A_11 : i32
    "tpu.region"() ({
      %run_scoped3A_32 = tpu.sem_alloc : memref<!tpu.dma_semaphore, #tpu.memory_space<semaphore_mem>>
      %dma_start3A = arith.constant 0 : i32
      %dma_start3A_33 = tpu.memref_slice %arg9[%mul3A_0, %dma_start3A] : memref<4096x128xf32, #tpu.memory_space<vmem_shared>> -> memref<256x128xf32, #tpu.memory_space<vmem_shared>>
      %dma_start3A_34 = arith.constant 0 : i32
      %dma_start3A_35 = tpu.memref_slice %arg9[%mul3A_0, %dma_start3A_34] : memref<4096x128xf32, #tpu.memory_space<vmem_shared>> -> memref<256x128xf32, #tpu.memory_space<vmem_shared>>
      tpu.enqueue_dma source(%arg6 : memref<256x128xf32, #tpu.memory_space<vmem>>) target(%dma_start3A_35 : memref<256x128xf32, #tpu.memory_space<vmem_shared>>) target_semaphore(%run_scoped3A_32 : memref<!tpu.dma_semaphore, #tpu.memory_space<semaphore_mem>>)
      %dma_wait3A = arith.constant 0 : i32
      %dma_wait3A_36 = tpu.memref_slice %arg9[%mul3A_0, %dma_wait3A] : memref<4096x128xf32, #tpu.memory_space<vmem_shared>> -> memref<256x128xf32, #tpu.memory_space<vmem_shared>>
      %dma_wait3A_37 = arith.constant 0 : i32
      %dma_wait3A_38 = tpu.memref_slice %arg9[%mul3A_0, %dma_wait3A_37] : memref<4096x128xf32, #tpu.memory_space<vmem_shared>> -> memref<256x128xf32, #tpu.memory_space<vmem_shared>>
      tpu.wait_dma2 semaphore(%run_scoped3A_32 : memref<!tpu.dma_semaphore, #tpu.memory_space<semaphore_mem>>) src(%arg6 : memref<256x128xf32, #tpu.memory_space<vmem>>) dst(%dma_wait3A_38 : memref<256x128xf32, #tpu.memory_space<vmem_shared>>)
      tpu.yield
    }) : () -> ()
    %mul3A_13 = arith.constant 128 : i32
    %mul3A_14 = arith.muli %add3A_12, %mul3A_13 : i32
    "tpu.region"() ({
      %run_scoped3A_32 = tpu.sem_alloc : memref<!tpu.dma_semaphore, #tpu.memory_space<semaphore_mem>>
      %dma_start3A = tpu.memref_slice %arg2[%mul3A_0, %mul3A_14] : memref<4096x768xf32, #tpu.memory_space<hbm>> -> memref<256x128xf32, #tpu.memory_space<hbm>>
      %dma_start3A_33 = tpu.memref_slice %arg2[%mul3A_0, %mul3A_14] : memref<4096x768xf32, #tpu.memory_space<hbm>> -> memref<256x128xf32, #tpu.memory_space<hbm>>
      tpu.enqueue_dma source(%dma_start3A_33 : memref<256x128xf32, #tpu.memory_space<hbm>>) target(%arg5 : memref<256x128xf32, #tpu.memory_space<vmem>>) target_semaphore(%run_scoped3A_32 : memref<!tpu.dma_semaphore, #tpu.memory_space<semaphore_mem>>)
      %dma_wait3A = tpu.memref_slice %arg2[%mul3A_0, %mul3A_14] : memref<4096x768xf32, #tpu.memory_space<hbm>> -> memref<256x128xf32, #tpu.memory_space<hbm>>
      %dma_wait3A_34 = tpu.memref_slice %arg2[%mul3A_0, %mul3A_14] : memref<4096x768xf32, #tpu.memory_space<hbm>> -> memref<256x128xf32, #tpu.memory_space<hbm>>
      tpu.wait_dma2 semaphore(%run_scoped3A_32 : memref<!tpu.dma_semaphore, #tpu.memory_space<semaphore_mem>>) src(%dma_wait3A_34 : memref<256x128xf32, #tpu.memory_space<hbm>>) dst(%arg5 : memref<256x128xf32, #tpu.memory_space<vmem>>)
      tpu.yield
    }) : () -> ()
    %barrier3A = arith.constant 0 : index
    tpu.barrier barrier_id(%barrier3A)
    "tpu.region"() ({
      %run_scoped3A_32 = tpu.sem_alloc : memref<!tpu.dma_semaphore, #tpu.memory_space<semaphore_mem>>
      %dma_start3A = arith.constant 0 : i32
      %dma_start3A_33 = arith.constant 0 : i32
      %dma_start3A_34 = tpu.memref_slice %arg5[%dma_start3A, %dma_start3A_33] : memref<256x128xf32, #tpu.memory_space<vmem>> -> memref<128x128xf32, #tpu.memory_space<vmem>>
      %dma_start3A_35 = arith.constant 0 : i32
      %dma_start3A_36 = arith.constant 0 : i32
      %dma_start3A_37 = tpu.memref_slice %arg9[%dma_start3A_35, %dma_start3A_36] : memref<4096x128xf32, #tpu.memory_space<vmem_shared>> -> memref<4096x128xf32, #tpu.memory_space<vmem_shared>>
      tpu.enqueue_indirect_dma source(%dma_start3A_34 : memref<128x128xf32, #tpu.memory_space<vmem>>) target(%dma_start3A_37 : memref<4096x128xf32, #tpu.memory_space<vmem_shared>>) offsets(%arg7 : memref<128xi32, #tpu.memory_space<vmem>>) semaphore(%run_scoped3A_32 : memref<!tpu.dma_semaphore, #tpu.memory_space<semaphore_mem>>) {add = true}
      %dma_wait3A = arith.constant 0 : i32
      %dma_wait3A_38 = arith.constant 0 : i32
      %dma_wait3A_39 = tpu.memref_slice %arg5[%dma_wait3A, %dma_wait3A_38] : memref<256x128xf32, #tpu.memory_space<vmem>> -> memref<128x128xf32, #tpu.memory_space<vmem>>
      %dma_wait3A_40 = arith.constant 0 : i32
      %dma_wait3A_41 = arith.constant 0 : i32
      %dma_wait3A_42 = tpu.memref_slice %arg9[%dma_wait3A_40, %dma_wait3A_41] : memref<4096x128xf32, #tpu.memory_space<vmem_shared>> -> memref<4096x128xf32, #tpu.memory_space<vmem_shared>>
      tpu.wait_indirect_dma semaphore(%run_scoped3A_32 : memref<!tpu.dma_semaphore, #tpu.memory_space<semaphore_mem>>) src(%dma_wait3A_39 : memref<128x128xf32, #tpu.memory_space<vmem>>) dst(%dma_wait3A_42 : memref<4096x128xf32, #tpu.memory_space<vmem_shared>>)
      tpu.yield
    }) : () -> ()
    "tpu.region"() ({
      %run_scoped3A_32 = tpu.sem_alloc : memref<!tpu.dma_semaphore, #tpu.memory_space<semaphore_mem>>
      %dma_start3A = arith.constant 128 : i32
      %dma_start3A_33 = arith.constant 0 : i32
      %dma_start3A_34 = tpu.memref_slice %arg5[%dma_start3A, %dma_start3A_33] : memref<256x128xf32, #tpu.memory_space<vmem>> -> memref<128x128xf32, #tpu.memory_space<vmem>>
      %dma_start3A_35 = arith.constant 0 : i32
      %dma_start3A_36 = arith.constant 0 : i32
      %dma_start3A_37 = tpu.memref_slice %arg9[%dma_start3A_35, %dma_start3A_36] : memref<4096x128xf32, #tpu.memory_space<vmem_shared>> -> memref<4096x128xf32, #tpu.memory_space<vmem_shared>>
      tpu.enqueue_indirect_dma source(%dma_start3A_34 : memref<128x128xf32, #tpu.memory_space<vmem>>) target(%dma_start3A_37 : memref<4096x128xf32, #tpu.memory_space<vmem_shared>>) offsets(%arg8 : memref<128xi32, #tpu.memory_space<vmem>>) semaphore(%run_scoped3A_32 : memref<!tpu.dma_semaphore, #tpu.memory_space<semaphore_mem>>) {add = true}
      %dma_wait3A = arith.constant 128 : i32
      %dma_wait3A_38 = arith.constant 0 : i32
      %dma_wait3A_39 = tpu.memref_slice %arg5[%dma_wait3A, %dma_wait3A_38] : memref<256x128xf32, #tpu.memory_space<vmem>> -> memref<128x128xf32, #tpu.memory_space<vmem>>
      %dma_wait3A_40 = arith.constant 0 : i32
      %dma_wait3A_41 = arith.constant 0 : i32
      %dma_wait3A_42 = tpu.memref_slice %arg9[%dma_wait3A_40, %dma_wait3A_41] : memref<4096x128xf32, #tpu.memory_space<vmem_shared>> -> memref<4096x128xf32, #tpu.memory_space<vmem_shared>>
      tpu.wait_indirect_dma semaphore(%run_scoped3A_32 : memref<!tpu.dma_semaphore, #tpu.memory_space<semaphore_mem>>) src(%dma_wait3A_39 : memref<128x128xf32, #tpu.memory_space<vmem>>) dst(%dma_wait3A_42 : memref<4096x128xf32, #tpu.memory_space<vmem_shared>>)
      tpu.yield
    }) : () -> ()
    %barrier3A_15 = arith.constant 0 : index
    tpu.barrier barrier_id(%barrier3A_15)
    "tpu.region"() ({
      %run_scoped3A_32 = tpu.sem_alloc : memref<!tpu.dma_semaphore, #tpu.memory_space<semaphore_mem>>
      %dma_start3A = arith.constant 0 : i32
      %dma_start3A_33 = tpu.memref_slice %arg4[%add3A_12, %mul3A_0, %dma_start3A] : memref<6x4096x128xf32, #tpu.memory_space<hbm>> -> memref<1x256x128xf32, #tpu.memory_space<hbm>>
      %dma_start3A_34 = tpu.memref_squeeze %dma_start3A_33 : memref<1x256x128xf32, #tpu.memory_space<hbm>> -> memref<256x128xf32, #tpu.memory_space<hbm>>
      %dma_start3A_35 = arith.constant 0 : i32
      %dma_start3A_36 = tpu.memref_slice %arg9[%mul3A_0, %dma_start3A_35] : memref<4096x128xf32, #tpu.memory_space<vmem_shared>> -> memref<256x128xf32, #tpu.memory_space<vmem_shared>>
      tpu.enqueue_dma source(%dma_start3A_36 : memref<256x128xf32, #tpu.memory_space<vmem_shared>>) target(%dma_start3A_34 : memref<256x128xf32, #tpu.memory_space<hbm>>) target_semaphore(%run_scoped3A_32 : memref<!tpu.dma_semaphore, #tpu.memory_space<semaphore_mem>>)
      %dma_wait3A = arith.constant 0 : i32
      %dma_wait3A_37 = tpu.memref_slice %arg4[%add3A_12, %mul3A_0, %dma_wait3A] : memref<6x4096x128xf32, #tpu.memory_space<hbm>> -> memref<1x256x128xf32, #tpu.memory_space<hbm>>
      %dma_wait3A_38 = tpu.memref_squeeze %dma_wait3A_37 : memref<1x256x128xf32, #tpu.memory_space<hbm>> -> memref<256x128xf32, #tpu.memory_space<hbm>>
      %dma_wait3A_39 = arith.constant 0 : i32
      %dma_wait3A_40 = tpu.memref_slice %arg9[%mul3A_0, %dma_wait3A_39] : memref<4096x128xf32, #tpu.memory_space<vmem_shared>> -> memref<256x128xf32, #tpu.memory_space<vmem_shared>>
      tpu.wait_dma2 semaphore(%run_scoped3A_32 : memref<!tpu.dma_semaphore, #tpu.memory_space<semaphore_mem>>) src(%dma_wait3A_40 : memref<256x128xf32, #tpu.memory_space<vmem_shared>>) dst(%dma_wait3A_38 : memref<256x128xf32, #tpu.memory_space<hbm>>)
      tpu.yield
    }) : () -> ()
    %mul3A_16 = arith.constant 3 : i32
    %mul3A_17 = arith.muli %arg0, %mul3A_16 : i32
    %add3A_18 = arith.constant 1 : i32
    %add3A_19 = arith.addi %mul3A_17, %add3A_18 : i32
    "tpu.region"() ({
      %run_scoped3A_32 = tpu.sem_alloc : memref<!tpu.dma_semaphore, #tpu.memory_space<semaphore_mem>>
      %dma_start3A = arith.constant 0 : i32
      %dma_start3A_33 = tpu.memref_slice %arg9[%mul3A_0, %dma_start3A] : memref<4096x128xf32, #tpu.memory_space<vmem_shared>> -> memref<256x128xf32, #tpu.memory_space<vmem_shared>>
      %dma_start3A_34 = arith.constant 0 : i32
      %dma_start3A_35 = tpu.memref_slice %arg9[%mul3A_0, %dma_start3A_34] : memref<4096x128xf32, #tpu.memory_space<vmem_shared>> -> memref<256x128xf32, #tpu.memory_space<vmem_shared>>
      tpu.enqueue_dma source(%arg6 : memref<256x128xf32, #tpu.memory_space<vmem>>) target(%dma_start3A_35 : memref<256x128xf32, #tpu.memory_space<vmem_shared>>) target_semaphore(%run_scoped3A_32 : memref<!tpu.dma_semaphore, #tpu.memory_space<semaphore_mem>>)
      %dma_wait3A = arith.constant 0 : i32
      %dma_wait3A_36 = tpu.memref_slice %arg9[%mul3A_0, %dma_wait3A] : memref<4096x128xf32, #tpu.memory_space<vmem_shared>> -> memref<256x128xf32, #tpu.memory_space<vmem_shared>>
      %dma_wait3A_37 = arith.constant 0 : i32
      %dma_wait3A_38 = tpu.memref_slice %arg9[%mul3A_0, %dma_wait3A_37] : memref<4096x128xf32, #tpu.memory_space<vmem_shared>> -> memref<256x128xf32, #tpu.memory_space<vmem_shared>>
      tpu.wait_dma2 semaphore(%run_scoped3A_32 : memref<!tpu.dma_semaphore, #tpu.memory_space<semaphore_mem>>) src(%arg6 : memref<256x128xf32, #tpu.memory_space<vmem>>) dst(%dma_wait3A_38 : memref<256x128xf32, #tpu.memory_space<vmem_shared>>)
      tpu.yield
    }) : () -> ()
    %mul3A_20 = arith.constant 128 : i32
    %mul3A_21 = arith.muli %add3A_19, %mul3A_20 : i32
    "tpu.region"() ({
      %run_scoped3A_32 = tpu.sem_alloc : memref<!tpu.dma_semaphore, #tpu.memory_space<semaphore_mem>>
      %dma_start3A = tpu.memref_slice %arg2[%mul3A_0, %mul3A_21] : memref<4096x768xf32, #tpu.memory_space<hbm>> -> memref<256x128xf32, #tpu.memory_space<hbm>>
      %dma_start3A_33 = tpu.memref_slice %arg2[%mul3A_0, %mul3A_21] : memref<4096x768xf32, #tpu.memory_space<hbm>> -> memref<256x128xf32, #tpu.memory_space<hbm>>
      tpu.enqueue_dma source(%dma_start3A_33 : memref<256x128xf32, #tpu.memory_space<hbm>>) target(%arg5 : memref<256x128xf32, #tpu.memory_space<vmem>>) target_semaphore(%run_scoped3A_32 : memref<!tpu.dma_semaphore, #tpu.memory_space<semaphore_mem>>)
      %dma_wait3A = tpu.memref_slice %arg2[%mul3A_0, %mul3A_21] : memref<4096x768xf32, #tpu.memory_space<hbm>> -> memref<256x128xf32, #tpu.memory_space<hbm>>
      %dma_wait3A_34 = tpu.memref_slice %arg2[%mul3A_0, %mul3A_21] : memref<4096x768xf32, #tpu.memory_space<hbm>> -> memref<256x128xf32, #tpu.memory_space<hbm>>
      tpu.wait_dma2 semaphore(%run_scoped3A_32 : memref<!tpu.dma_semaphore, #tpu.memory_space<semaphore_mem>>) src(%dma_wait3A_34 : memref<256x128xf32, #tpu.memory_space<hbm>>) dst(%arg5 : memref<256x128xf32, #tpu.memory_space<vmem>>)
      tpu.yield
    }) : () -> ()
    %barrier3A_22 = arith.constant 0 : index
    tpu.barrier barrier_id(%barrier3A_22)
    "tpu.region"() ({
      %run_scoped3A_32 = tpu.sem_alloc : memref<!tpu.dma_semaphore, #tpu.memory_space<semaphore_mem>>
      %dma_start3A = arith.constant 0 : i32
      %dma_start3A_33 = arith.constant 0 : i32
      %dma_start3A_34 = tpu.memref_slice %arg5[%dma_start3A, %dma_start3A_33] : memref<256x128xf32, #tpu.memory_space<vmem>> -> memref<128x128xf32, #tpu.memory_space<vmem>>
      %dma_start3A_35 = arith.constant 0 : i32
      %dma_start3A_36 = arith.constant 0 : i32
      %dma_start3A_37 = tpu.memref_slice %arg9[%dma_start3A_35, %dma_start3A_36] : memref<4096x128xf32, #tpu.memory_space<vmem_shared>> -> memref<4096x128xf32, #tpu.memory_space<vmem_shared>>
      tpu.enqueue_indirect_dma source(%dma_start3A_34 : memref<128x128xf32, #tpu.memory_space<vmem>>) target(%dma_start3A_37 : memref<4096x128xf32, #tpu.memory_space<vmem_shared>>) offsets(%arg7 : memref<128xi32, #tpu.memory_space<vmem>>) semaphore(%run_scoped3A_32 : memref<!tpu.dma_semaphore, #tpu.memory_space<semaphore_mem>>) {add = true}
      %dma_wait3A = arith.constant 0 : i32
      %dma_wait3A_38 = arith.constant 0 : i32
      %dma_wait3A_39 = tpu.memref_slice %arg5[%dma_wait3A, %dma_wait3A_38] : memref<256x128xf32, #tpu.memory_space<vmem>> -> memref<128x128xf32, #tpu.memory_space<vmem>>
      %dma_wait3A_40 = arith.constant 0 : i32
      %dma_wait3A_41 = arith.constant 0 : i32
      %dma_wait3A_42 = tpu.memref_slice %arg9[%dma_wait3A_40, %dma_wait3A_41] : memref<4096x128xf32, #tpu.memory_space<vmem_shared>> -> memref<4096x128xf32, #tpu.memory_space<vmem_shared>>
      tpu.wait_indirect_dma semaphore(%run_scoped3A_32 : memref<!tpu.dma_semaphore, #tpu.memory_space<semaphore_mem>>) src(%dma_wait3A_39 : memref<128x128xf32, #tpu.memory_space<vmem>>) dst(%dma_wait3A_42 : memref<4096x128xf32, #tpu.memory_space<vmem_shared>>)
      tpu.yield
    }) : () -> ()
    "tpu.region"() ({
      %run_scoped3A_32 = tpu.sem_alloc : memref<!tpu.dma_semaphore, #tpu.memory_space<semaphore_mem>>
      %dma_start3A = arith.constant 128 : i32
      %dma_start3A_33 = arith.constant 0 : i32
      %dma_start3A_34 = tpu.memref_slice %arg5[%dma_start3A, %dma_start3A_33] : memref<256x128xf32, #tpu.memory_space<vmem>> -> memref<128x128xf32, #tpu.memory_space<vmem>>
      %dma_start3A_35 = arith.constant 0 : i32
      %dma_start3A_36 = arith.constant 0 : i32
      %dma_start3A_37 = tpu.memref_slice %arg9[%dma_start3A_35, %dma_start3A_36] : memref<4096x128xf32, #tpu.memory_space<vmem_shared>> -> memref<4096x128xf32, #tpu.memory_space<vmem_shared>>
      tpu.enqueue_indirect_dma source(%dma_start3A_34 : memref<128x128xf32, #tpu.memory_space<vmem>>) target(%dma_start3A_37 : memref<4096x128xf32, #tpu.memory_space<vmem_shared>>) offsets(%arg8 : memref<128xi32, #tpu.memory_space<vmem>>) semaphore(%run_scoped3A_32 : memref<!tpu.dma_semaphore, #tpu.memory_space<semaphore_mem>>) {add = true}
      %dma_wait3A = arith.constant 128 : i32
      %dma_wait3A_38 = arith.constant 0 : i32
      %dma_wait3A_39 = tpu.memref_slice %arg5[%dma_wait3A, %dma_wait3A_38] : memref<256x128xf32, #tpu.memory_space<vmem>> -> memref<128x128xf32, #tpu.memory_space<vmem>>
      %dma_wait3A_40 = arith.constant 0 : i32
      %dma_wait3A_41 = arith.constant 0 : i32
      %dma_wait3A_42 = tpu.memref_slice %arg9[%dma_wait3A_40, %dma_wait3A_41] : memref<4096x128xf32, #tpu.memory_space<vmem_shared>> -> memref<4096x128xf32, #tpu.memory_space<vmem_shared>>
      tpu.wait_indirect_dma semaphore(%run_scoped3A_32 : memref<!tpu.dma_semaphore, #tpu.memory_space<semaphore_mem>>) src(%dma_wait3A_39 : memref<128x128xf32, #tpu.memory_space<vmem>>) dst(%dma_wait3A_42 : memref<4096x128xf32, #tpu.memory_space<vmem_shared>>)
      tpu.yield
    }) : () -> ()
    %barrier3A_23 = arith.constant 0 : index
    tpu.barrier barrier_id(%barrier3A_23)
    "tpu.region"() ({
      %run_scoped3A_32 = tpu.sem_alloc : memref<!tpu.dma_semaphore, #tpu.memory_space<semaphore_mem>>
      %dma_start3A = arith.constant 0 : i32
      %dma_start3A_33 = tpu.memref_slice %arg4[%add3A_19, %mul3A_0, %dma_start3A] : memref<6x4096x128xf32, #tpu.memory_space<hbm>> -> memref<1x256x128xf32, #tpu.memory_space<hbm>>
      %dma_start3A_34 = tpu.memref_squeeze %dma_start3A_33 : memref<1x256x128xf32, #tpu.memory_space<hbm>> -> memref<256x128xf32, #tpu.memory_space<hbm>>
      %dma_start3A_35 = arith.constant 0 : i32
      %dma_start3A_36 = tpu.memref_slice %arg9[%mul3A_0, %dma_start3A_35] : memref<4096x128xf32, #tpu.memory_space<vmem_shared>> -> memref<256x128xf32, #tpu.memory_space<vmem_shared>>
      tpu.enqueue_dma source(%dma_start3A_36 : memref<256x128xf32, #tpu.memory_space<vmem_shared>>) target(%dma_start3A_34 : memref<256x128xf32, #tpu.memory_space<hbm>>) target_semaphore(%run_scoped3A_32 : memref<!tpu.dma_semaphore, #tpu.memory_space<semaphore_mem>>)
      %dma_wait3A = arith.constant 0 : i32
      %dma_wait3A_37 = tpu.memref_slice %arg4[%add3A_19, %mul3A_0, %dma_wait3A] : memref<6x4096x128xf32, #tpu.memory_space<hbm>> -> memref<1x256x128xf32, #tpu.memory_space<hbm>>
      %dma_wait3A_38 = tpu.memref_squeeze %dma_wait3A_37 : memref<1x256x128xf32, #tpu.memory_space<hbm>> -> memref<256x128xf32, #tpu.memory_space<hbm>>
      %dma_wait3A_39 = arith.constant 0 : i32
      %dma_wait3A_40 = tpu.memref_slice %arg9[%mul3A_0, %dma_wait3A_39] : memref<4096x128xf32, #tpu.memory_space<vmem_shared>> -> memref<256x128xf32, #tpu.memory_space<vmem_shared>>
      tpu.wait_dma2 semaphore(%run_scoped3A_32 : memref<!tpu.dma_semaphore, #tpu.memory_space<semaphore_mem>>) src(%dma_wait3A_40 : memref<256x128xf32, #tpu.memory_space<vmem_shared>>) dst(%dma_wait3A_38 : memref<256x128xf32, #tpu.memory_space<hbm>>)
      tpu.yield
    }) : () -> ()
    %mul3A_24 = arith.constant 3 : i32
    %mul3A_25 = arith.muli %arg0, %mul3A_24 : i32
    %add3A_26 = arith.constant 2 : i32
    %add3A_27 = arith.addi %mul3A_25, %add3A_26 : i32
    "tpu.region"() ({
      %run_scoped3A_32 = tpu.sem_alloc : memref<!tpu.dma_semaphore, #tpu.memory_space<semaphore_mem>>
      %dma_start3A = arith.constant 0 : i32
      %dma_start3A_33 = tpu.memref_slice %arg9[%mul3A_0, %dma_start3A] : memref<4096x128xf32, #tpu.memory_space<vmem_shared>> -> memref<256x128xf32, #tpu.memory_space<vmem_shared>>
      %dma_start3A_34 = arith.constant 0 : i32
      %dma_start3A_35 = tpu.memref_slice %arg9[%mul3A_0, %dma_start3A_34] : memref<4096x128xf32, #tpu.memory_space<vmem_shared>> -> memref<256x128xf32, #tpu.memory_space<vmem_shared>>
      tpu.enqueue_dma source(%arg6 : memref<256x128xf32, #tpu.memory_space<vmem>>) target(%dma_start3A_35 : memref<256x128xf32, #tpu.memory_space<vmem_shared>>) target_semaphore(%run_scoped3A_32 : memref<!tpu.dma_semaphore, #tpu.memory_space<semaphore_mem>>)
      %dma_wait3A = arith.constant 0 : i32
      %dma_wait3A_36 = tpu.memref_slice %arg9[%mul3A_0, %dma_wait3A] : memref<4096x128xf32, #tpu.memory_space<vmem_shared>> -> memref<256x128xf32, #tpu.memory_space<vmem_shared>>
      %dma_wait3A_37 = arith.constant 0 : i32
      %dma_wait3A_38 = tpu.memref_slice %arg9[%mul3A_0, %dma_wait3A_37] : memref<4096x128xf32, #tpu.memory_space<vmem_shared>> -> memref<256x128xf32, #tpu.memory_space<vmem_shared>>
      tpu.wait_dma2 semaphore(%run_scoped3A_32 : memref<!tpu.dma_semaphore, #tpu.memory_space<semaphore_mem>>) src(%arg6 : memref<256x128xf32, #tpu.memory_space<vmem>>) dst(%dma_wait3A_38 : memref<256x128xf32, #tpu.memory_space<vmem_shared>>)
      tpu.yield
    }) : () -> ()
    %mul3A_28 = arith.constant 128 : i32
    %mul3A_29 = arith.muli %add3A_27, %mul3A_28 : i32
    "tpu.region"() ({
      %run_scoped3A_32 = tpu.sem_alloc : memref<!tpu.dma_semaphore, #tpu.memory_space<semaphore_mem>>
      %dma_start3A = tpu.memref_slice %arg2[%mul3A_0, %mul3A_29] : memref<4096x768xf32, #tpu.memory_space<hbm>> -> memref<256x128xf32, #tpu.memory_space<hbm>>
      %dma_start3A_33 = tpu.memref_slice %arg2[%mul3A_0, %mul3A_29] : memref<4096x768xf32, #tpu.memory_space<hbm>> -> memref<256x128xf32, #tpu.memory_space<hbm>>
      tpu.enqueue_dma source(%dma_start3A_33 : memref<256x128xf32, #tpu.memory_space<hbm>>) target(%arg5 : memref<256x128xf32, #tpu.memory_space<vmem>>) target_semaphore(%run_scoped3A_32 : memref<!tpu.dma_semaphore, #tpu.memory_space<semaphore_mem>>)
      %dma_wait3A = tpu.memref_slice %arg2[%mul3A_0, %mul3A_29] : memref<4096x768xf32, #tpu.memory_space<hbm>> -> memref<256x128xf32, #tpu.memory_space<hbm>>
      %dma_wait3A_34 = tpu.memref_slice %arg2[%mul3A_0, %mul3A_29] : memref<4096x768xf32, #tpu.memory_space<hbm>> -> memref<256x128xf32, #tpu.memory_space<hbm>>
      tpu.wait_dma2 semaphore(%run_scoped3A_32 : memref<!tpu.dma_semaphore, #tpu.memory_space<semaphore_mem>>) src(%dma_wait3A_34 : memref<256x128xf32, #tpu.memory_space<hbm>>) dst(%arg5 : memref<256x128xf32, #tpu.memory_space<vmem>>)
      tpu.yield
    }) : () -> ()
    %barrier3A_30 = arith.constant 0 : index
    tpu.barrier barrier_id(%barrier3A_30)
    "tpu.region"() ({
      %run_scoped3A_32 = tpu.sem_alloc : memref<!tpu.dma_semaphore, #tpu.memory_space<semaphore_mem>>
      %dma_start3A = arith.constant 0 : i32
      %dma_start3A_33 = arith.constant 0 : i32
      %dma_start3A_34 = tpu.memref_slice %arg5[%dma_start3A, %dma_start3A_33] : memref<256x128xf32, #tpu.memory_space<vmem>> -> memref<128x128xf32, #tpu.memory_space<vmem>>
      %dma_start3A_35 = arith.constant 0 : i32
      %dma_start3A_36 = arith.constant 0 : i32
      %dma_start3A_37 = tpu.memref_slice %arg9[%dma_start3A_35, %dma_start3A_36] : memref<4096x128xf32, #tpu.memory_space<vmem_shared>> -> memref<4096x128xf32, #tpu.memory_space<vmem_shared>>
      tpu.enqueue_indirect_dma source(%dma_start3A_34 : memref<128x128xf32, #tpu.memory_space<vmem>>) target(%dma_start3A_37 : memref<4096x128xf32, #tpu.memory_space<vmem_shared>>) offsets(%arg7 : memref<128xi32, #tpu.memory_space<vmem>>) semaphore(%run_scoped3A_32 : memref<!tpu.dma_semaphore, #tpu.memory_space<semaphore_mem>>) {add = true}
      %dma_wait3A = arith.constant 0 : i32
      %dma_wait3A_38 = arith.constant 0 : i32
      %dma_wait3A_39 = tpu.memref_slice %arg5[%dma_wait3A, %dma_wait3A_38] : memref<256x128xf32, #tpu.memory_space<vmem>> -> memref<128x128xf32, #tpu.memory_space<vmem>>
      %dma_wait3A_40 = arith.constant 0 : i32
      %dma_wait3A_41 = arith.constant 0 : i32
      %dma_wait3A_42 = tpu.memref_slice %arg9[%dma_wait3A_40, %dma_wait3A_41] : memref<4096x128xf32, #tpu.memory_space<vmem_shared>> -> memref<4096x128xf32, #tpu.memory_space<vmem_shared>>
      tpu.wait_indirect_dma semaphore(%run_scoped3A_32 : memref<!tpu.dma_semaphore, #tpu.memory_space<semaphore_mem>>) src(%dma_wait3A_39 : memref<128x128xf32, #tpu.memory_space<vmem>>) dst(%dma_wait3A_42 : memref<4096x128xf32, #tpu.memory_space<vmem_shared>>)
      tpu.yield
    }) : () -> ()
    "tpu.region"() ({
      %run_scoped3A_32 = tpu.sem_alloc : memref<!tpu.dma_semaphore, #tpu.memory_space<semaphore_mem>>
      %dma_start3A = arith.constant 128 : i32
      %dma_start3A_33 = arith.constant 0 : i32
      %dma_start3A_34 = tpu.memref_slice %arg5[%dma_start3A, %dma_start3A_33] : memref<256x128xf32, #tpu.memory_space<vmem>> -> memref<128x128xf32, #tpu.memory_space<vmem>>
      %dma_start3A_35 = arith.constant 0 : i32
      %dma_start3A_36 = arith.constant 0 : i32
      %dma_start3A_37 = tpu.memref_slice %arg9[%dma_start3A_35, %dma_start3A_36] : memref<4096x128xf32, #tpu.memory_space<vmem_shared>> -> memref<4096x128xf32, #tpu.memory_space<vmem_shared>>
      tpu.enqueue_indirect_dma source(%dma_start3A_34 : memref<128x128xf32, #tpu.memory_space<vmem>>) target(%dma_start3A_37 : memref<4096x128xf32, #tpu.memory_space<vmem_shared>>) offsets(%arg8 : memref<128xi32, #tpu.memory_space<vmem>>) semaphore(%run_scoped3A_32 : memref<!tpu.dma_semaphore, #tpu.memory_space<semaphore_mem>>) {add = true}
      %dma_wait3A = arith.constant 128 : i32
      %dma_wait3A_38 = arith.constant 0 : i32
      %dma_wait3A_39 = tpu.memref_slice %arg5[%dma_wait3A, %dma_wait3A_38] : memref<256x128xf32, #tpu.memory_space<vmem>> -> memref<128x128xf32, #tpu.memory_space<vmem>>
      %dma_wait3A_40 = arith.constant 0 : i32
      %dma_wait3A_41 = arith.constant 0 : i32
      %dma_wait3A_42 = tpu.memref_slice %arg9[%dma_wait3A_40, %dma_wait3A_41] : memref<4096x128xf32, #tpu.memory_space<vmem_shared>> -> memref<4096x128xf32, #tpu.memory_space<vmem_shared>>
      tpu.wait_indirect_dma semaphore(%run_scoped3A_32 : memref<!tpu.dma_semaphore, #tpu.memory_space<semaphore_mem>>) src(%dma_wait3A_39 : memref<128x128xf32, #tpu.memory_space<vmem>>) dst(%dma_wait3A_42 : memref<4096x128xf32, #tpu.memory_space<vmem_shared>>)
      tpu.yield
    }) : () -> ()
    %barrier3A_31 = arith.constant 0 : index
    tpu.barrier barrier_id(%barrier3A_31)
    "tpu.region"() ({
      %run_scoped3A_32 = tpu.sem_alloc : memref<!tpu.dma_semaphore, #tpu.memory_space<semaphore_mem>>
      %dma_start3A = arith.constant 0 : i32
      %dma_start3A_33 = tpu.memref_slice %arg4[%add3A_27, %mul3A_0, %dma_start3A] : memref<6x4096x128xf32, #tpu.memory_space<hbm>> -> memref<1x256x128xf32, #tpu.memory_space<hbm>>
      %dma_start3A_34 = tpu.memref_squeeze %dma_start3A_33 : memref<1x256x128xf32, #tpu.memory_space<hbm>> -> memref<256x128xf32, #tpu.memory_space<hbm>>
      %dma_start3A_35 = arith.constant 0 : i32
      %dma_start3A_36 = tpu.memref_slice %arg9[%mul3A_0, %dma_start3A_35] : memref<4096x128xf32, #tpu.memory_space<vmem_shared>> -> memref<256x128xf32, #tpu.memory_space<vmem_shared>>
      tpu.enqueue_dma source(%dma_start3A_36 : memref<256x128xf32, #tpu.memory_space<vmem_shared>>) target(%dma_start3A_34 : memref<256x128xf32, #tpu.memory_space<hbm>>) target_semaphore(%run_scoped3A_32 : memref<!tpu.dma_semaphore, #tpu.memory_space<semaphore_mem>>)
      %dma_wait3A = arith.constant 0 : i32
      %dma_wait3A_37 = tpu.memref_slice %arg4[%add3A_27, %mul3A_0, %dma_wait3A] : memref<6x4096x128xf32, #tpu.memory_space<hbm>> -> memref<1x256x128xf32, #tpu.memory_space<hbm>>
      %dma_wait3A_38 = tpu.memref_squeeze %dma_wait3A_37 : memref<1x256x128xf32, #tpu.memory_space<hbm>> -> memref<256x128xf32, #tpu.memory_space<hbm>>
      %dma_wait3A_39 = arith.constant 0 : i32
      %dma_wait3A_40 = tpu.memref_slice %arg9[%mul3A_0, %dma_wait3A_39] : memref<4096x128xf32, #tpu.memory_space<vmem_shared>> -> memref<256x128xf32, #tpu.memory_space<vmem_shared>>
      tpu.wait_dma2 semaphore(%run_scoped3A_32 : memref<!tpu.dma_semaphore, #tpu.memory_space<semaphore_mem>>) src(%dma_wait3A_40 : memref<256x128xf32, #tpu.memory_space<vmem_shared>>) dst(%dma_wait3A_38 : memref<256x128xf32, #tpu.memory_space<hbm>>)
      tpu.yield
    }) : () -> ()
    return
  }
}

module attributes {stable_mosaic.version = 14 : i64} {
  func.func @_stats_kernel(%arg0: i32, %arg1: memref<512x768xf32, #tpu.memory_space<vmem>>, %arg2: memref<4096x768xbf16, #tpu.memory_space<vmem>>, %arg3: memref<512x768xf32, #tpu.memory_space<vmem>>, %arg4: memref<1x4096xi32, #tpu.memory_space<vmem>>, %arg5: memref<1x4096xf32, #tpu.memory_space<vmem>>, %arg6: memref<1x4096xf32, #tpu.memory_space<vmem>>, %arg7: memref<1x4096xf32, #tpu.memory_space<vmem>>) attributes {dimension_semantics = [#tpu.dimension_semantics<arbitrary>], iteration_bounds = array<i64: 8>, scalar_prefetch = 0 : i64, scratch_operands = 1 : i64, tpu.core_type = #tpu.core_type<tc>, window_params = [{transform_indices = @transform_0, window_bounds = array<i64: 512, 768>}, {pipeline_mode = #tpu.pipeline_mode<synchronous>, transform_indices = @transform_1, window_bounds = array<i64: 4096, 768>}, {transform_indices = @transform_2, window_bounds = array<i64: 512, 768>}, {pipeline_mode = #tpu.pipeline_mode<synchronous>, transform_indices = @transform_3, window_bounds = array<i64: 1, 4096>}, {pipeline_mode = #tpu.pipeline_mode<synchronous>, transform_indices = @transform_4, window_bounds = array<i64: 1, 4096>}, {pipeline_mode = #tpu.pipeline_mode<synchronous>, transform_indices = @transform_5, window_bounds = array<i64: 1, 4096>}]} {
    %get3A = arith.constant 0 : index
    %get3A_0 = arith.constant 0 : index
    %get3A_1 = vector.load %arg2[%get3A, %get3A_0] : memref<4096x768xbf16, #tpu.memory_space<vmem>>, vector<4096x768xbf16>
    %get3A_2 = arith.constant 0 : index
    %get3A_3 = arith.constant 0 : index
    %get3A_4 = vector.load %arg1[%get3A_2, %get3A_3] : memref<512x768xf32, #tpu.memory_space<vmem>>, vector<256x768xf32>
    %mul3A = arith.mulf %get3A_4, %get3A_4 : vector<256x768xf32>
    %reduce_sum3A = arith.constant dense<0.000000e+00> : vector<256xf32>
    %reduce_sum3A_5 = vector.multi_reduction <add>, %mul3A, %reduce_sum3A [1] : vector<256x768xf32> to vector<256xf32>
    %broadcast_in_dim3A = vector.shape_cast %reduce_sum3A_5 : vector<256xf32> to vector<256x1xf32>
    %sqrt3A = math.sqrt %broadcast_in_dim3A : vector<256x1xf32>
    %max3A = arith.constant 9.99999996E-13 : f32
    %max3A_6 = vector.broadcast %max3A : f32 to vector<256x1xf32>
    %max3A_7 = arith.maximumf %sqrt3A, %max3A_6 : vector<256x1xf32>
    %div3A = vector.broadcast %max3A_7 : vector<256x1xf32> to vector<256x768xf32>
    %div3A_8 = arith.divf %get3A_4, %div3A : vector<256x768xf32>
    %convert_element_type3A = arith.truncf %div3A_8 : vector<256x768xf32> to vector<256x768xbf16>
    %dot_general3A = arith.constant dense<0.000000e+00> : vector<256x4096xf32>
    %dot_general3A_9 = tpu.matmul %convert_element_type3A, %get3A_1, %dot_general3A {dimension_numbers = #tpu.dot_dimension_numbers<[1], [1], [0], [0], [0, 0, 1, 0], [], []>, transpose_lhs_hint = false} : vector<256x768xbf16>, vector<4096x768xbf16>, vector<256x4096xf32> -> vector<256x4096xf32>
    %reduce_max3A = arith.constant dense<0xFF800000> : vector<256xf32>
    %reduce_max3A_10 = vector.multi_reduction <maximumf>, %dot_general3A_9, %reduce_max3A [1] : vector<256x4096xf32> to vector<256xf32>
    %broadcast_in_dim3A_11 = vector.shape_cast %reduce_max3A_10 : vector<256xf32> to vector<256x1xf32>
    %iota3A = tpu.iota {dimensions = array<i32: 1>} : vector<256x4096xi32>
    %eq3A = vector.broadcast %broadcast_in_dim3A_11 : vector<256x1xf32> to vector<256x4096xf32>
    %eq3A_12 = arith.cmpf oeq, %dot_general3A_9, %eq3A : vector<256x4096xf32>
    %jit3A = arith.constant 4096 : i32
    %broadcast_in_dim3A_13 = vector.broadcast %jit3A : i32 to vector<256x4096xi32>
    %select_n3A = arith.select %eq3A_12, %iota3A, %broadcast_in_dim3A_13 : vector<256x4096xi1>, vector<256x4096xi32>
    %reduce_min3A = arith.constant dense<2147483647> : vector<256xi32>
    %reduce_min3A_14 = vector.multi_reduction <minsi>, %select_n3A, %reduce_min3A [1] : vector<256x4096xi32> to vector<256xi32>
    %exp3A = math.exp %broadcast_in_dim3A_11 : vector<256x1xf32>
    %mul3A_15 = vector.broadcast %exp3A : vector<256x1xf32> to vector<256x768xf32>
    %mul3A_16 = arith.mulf %mul3A_15, %div3A_8 : vector<256x768xf32>
    %swap3A = arith.constant 0 : index
    %swap3A_17 = arith.constant 0 : index
    %swap3A_18 = vector.load %arg3[%swap3A, %swap3A_17] : memref<512x768xf32, #tpu.memory_space<vmem>>, vector<256x768xf32>
    tpu.vector_store %arg3[%swap3A, %swap3A_17], %mul3A_16 {strides = array<i32>} : memref<512x768xf32, #tpu.memory_space<vmem>>, vector<256x768xf32>,
    %mul3A_19 = arith.constant 512 : i32
    %mul3A_20 = arith.muli %arg0, %mul3A_19 : i32
    %add3A = arith.constant 0 : i32
    %add3A_21 = arith.addi %mul3A_20, %add3A : i32
    %swap3A_22 = arith.constant 0 : index
    %swap3A_23 = arith.index_cast %add3A_21 : i32 to index
    %swap3A_24 = vector.load %arg4[%swap3A_22, %swap3A_23] : memref<1x4096xi32, #tpu.memory_space<vmem>>, vector<1x256xi32>
    %swap3A_25 = vector.shape_cast %swap3A_24 : vector<1x256xi32> to vector<256xi32>
    %swap3A_26 = vector.shape_cast %reduce_min3A_14 : vector<256xi32> to vector<1x256xi32>
    tpu.vector_store %arg4[%swap3A_22, %swap3A_23], %swap3A_26 {strides = array<i32>} : memref<1x4096xi32, #tpu.memory_space<vmem>>, vector<1x256xi32>,
    %reduce_max3A_27 = arith.constant dense<0xFF800000> : vector<4096xf32>
    %reduce_max3A_28 = vector.multi_reduction <maximumf>, %dot_general3A_9, %reduce_max3A_27 [0] : vector<256x4096xf32> to vector<4096xf32>
    %broadcast_in_dim3A_29 = vector.shape_cast %reduce_max3A_28 : vector<4096xf32> to vector<1x4096xf32>
    %broadcast_in_dim3A_30 = vector.shape_cast %reduce_min3A_14 : vector<256xi32> to vector<256x1xi32>
    %eq3A_31 = vector.broadcast %broadcast_in_dim3A_30 : vector<256x1xi32> to vector<256x4096xi32>
    %eq3A_32 = arith.cmpi eq, %eq3A_31, %iota3A : vector<256x4096xi32>
    %jit3A_33 = arith.constant 1.000000e+00 : f32
    %jit3A_34 = arith.constant 0.000000e+00 : f32
    %broadcast_in_dim3A_35 = vector.broadcast %jit3A_33 : f32 to vector<256x4096xf32>
    %broadcast_in_dim3A_36 = vector.broadcast %jit3A_34 : f32 to vector<256x4096xf32>
    %select_n3A_37 = arith.select %eq3A_32, %broadcast_in_dim3A_35, %broadcast_in_dim3A_36 : vector<256x4096xi1>, vector<256x4096xf32>
    %reduce_sum3A_38 = arith.constant dense<0.000000e+00> : vector<4096xf32>
    %reduce_sum3A_39 = vector.multi_reduction <add>, %select_n3A_37, %reduce_sum3A_38 [0] : vector<256x4096xf32> to vector<4096xf32>
    %broadcast_in_dim3A_40 = vector.shape_cast %reduce_sum3A_39 : vector<4096xf32> to vector<1x4096xf32>
    %get3A_41 = arith.constant 256 : index
    %get3A_42 = arith.constant 0 : index
    %get3A_43 = vector.load %arg1[%get3A_41, %get3A_42] : memref<512x768xf32, #tpu.memory_space<vmem>>, vector<256x768xf32>
    %mul3A_44 = arith.mulf %get3A_43, %get3A_43 : vector<256x768xf32>
    %reduce_sum3A_45 = arith.constant dense<0.000000e+00> : vector<256xf32>
    %reduce_sum3A_46 = vector.multi_reduction <add>, %mul3A_44, %reduce_sum3A_45 [1] : vector<256x768xf32> to vector<256xf32>
    %broadcast_in_dim3A_47 = vector.shape_cast %reduce_sum3A_46 : vector<256xf32> to vector<256x1xf32>
    %sqrt3A_48 = math.sqrt %broadcast_in_dim3A_47 : vector<256x1xf32>
    %max3A_49 = arith.constant 9.99999996E-13 : f32
    %max3A_50 = vector.broadcast %max3A_49 : f32 to vector<256x1xf32>
    %max3A_51 = arith.maximumf %sqrt3A_48, %max3A_50 : vector<256x1xf32>
    %div3A_52 = vector.broadcast %max3A_51 : vector<256x1xf32> to vector<256x768xf32>
    %div3A_53 = arith.divf %get3A_43, %div3A_52 : vector<256x768xf32>
    %convert_element_type3A_54 = arith.truncf %div3A_53 : vector<256x768xf32> to vector<256x768xbf16>
    %dot_general3A_55 = arith.constant dense<0.000000e+00> : vector<256x4096xf32>
    %dot_general3A_56 = tpu.matmul %convert_element_type3A_54, %get3A_1, %dot_general3A_55 {dimension_numbers = #tpu.dot_dimension_numbers<[1], [1], [0], [0], [0, 0, 1, 0], [], []>, transpose_lhs_hint = false} : vector<256x768xbf16>, vector<4096x768xbf16>, vector<256x4096xf32> -> vector<256x4096xf32>
    %reduce_max3A_57 = arith.constant dense<0xFF800000> : vector<256xf32>
    %reduce_max3A_58 = vector.multi_reduction <maximumf>, %dot_general3A_56, %reduce_max3A_57 [1] : vector<256x4096xf32> to vector<256xf32>
    %broadcast_in_dim3A_59 = vector.shape_cast %reduce_max3A_58 : vector<256xf32> to vector<256x1xf32>
    %iota3A_60 = tpu.iota {dimensions = array<i32: 1>} : vector<256x4096xi32>
    %eq3A_61 = vector.broadcast %broadcast_in_dim3A_59 : vector<256x1xf32> to vector<256x4096xf32>
    %eq3A_62 = arith.cmpf oeq, %dot_general3A_56, %eq3A_61 : vector<256x4096xf32>
    %jit3A_63 = arith.constant 4096 : i32
    %broadcast_in_dim3A_64 = vector.broadcast %jit3A_63 : i32 to vector<256x4096xi32>
    %select_n3A_65 = arith.select %eq3A_62, %iota3A_60, %broadcast_in_dim3A_64 : vector<256x4096xi1>, vector<256x4096xi32>
    %reduce_min3A_66 = arith.constant dense<2147483647> : vector<256xi32>
    %reduce_min3A_67 = vector.multi_reduction <minsi>, %select_n3A_65, %reduce_min3A_66 [1] : vector<256x4096xi32> to vector<256xi32>
    %exp3A_68 = math.exp %broadcast_in_dim3A_59 : vector<256x1xf32>
    %mul3A_69 = vector.broadcast %exp3A_68 : vector<256x1xf32> to vector<256x768xf32>
    %mul3A_70 = arith.mulf %mul3A_69, %div3A_53 : vector<256x768xf32>
    %swap3A_71 = arith.constant 256 : index
    %swap3A_72 = arith.constant 0 : index
    %swap3A_73 = vector.load %arg3[%swap3A_71, %swap3A_72] : memref<512x768xf32, #tpu.memory_space<vmem>>, vector<256x768xf32>
    tpu.vector_store %arg3[%swap3A_71, %swap3A_72], %mul3A_70 {strides = array<i32>} : memref<512x768xf32, #tpu.memory_space<vmem>>, vector<256x768xf32>,
    %mul3A_74 = arith.constant 512 : i32
    %mul3A_75 = arith.muli %arg0, %mul3A_74 : i32
    %add3A_76 = arith.constant 256 : i32
    %add3A_77 = arith.addi %mul3A_75, %add3A_76 : i32
    %swap3A_78 = arith.constant 0 : index
    %swap3A_79 = arith.index_cast %add3A_77 : i32 to index
    %swap3A_80 = vector.load %arg4[%swap3A_78, %swap3A_79] : memref<1x4096xi32, #tpu.memory_space<vmem>>, vector<1x256xi32>
    %swap3A_81 = vector.shape_cast %swap3A_80 : vector<1x256xi32> to vector<256xi32>
    %swap3A_82 = vector.shape_cast %reduce_min3A_67 : vector<256xi32> to vector<1x256xi32>
    tpu.vector_store %arg4[%swap3A_78, %swap3A_79], %swap3A_82 {strides = array<i32>} : memref<1x4096xi32, #tpu.memory_space<vmem>>, vector<1x256xi32>,
    %reduce_max3A_83 = arith.constant dense<0xFF800000> : vector<4096xf32>
    %reduce_max3A_84 = vector.multi_reduction <maximumf>, %dot_general3A_56, %reduce_max3A_83 [0] : vector<256x4096xf32> to vector<4096xf32>
    %broadcast_in_dim3A_85 = vector.shape_cast %reduce_max3A_84 : vector<4096xf32> to vector<1x4096xf32>
    %broadcast_in_dim3A_86 = vector.shape_cast %reduce_min3A_67 : vector<256xi32> to vector<256x1xi32>
    %eq3A_87 = vector.broadcast %broadcast_in_dim3A_86 : vector<256x1xi32> to vector<256x4096xi32>
    %eq3A_88 = arith.cmpi eq, %eq3A_87, %iota3A_60 : vector<256x4096xi32>
    %jit3A_89 = arith.constant 1.000000e+00 : f32
    %jit3A_90 = arith.constant 0.000000e+00 : f32
    %broadcast_in_dim3A_91 = vector.broadcast %jit3A_89 : f32 to vector<256x4096xf32>
    %broadcast_in_dim3A_92 = vector.broadcast %jit3A_90 : f32 to vector<256x4096xf32>
    %select_n3A_93 = arith.select %eq3A_88, %broadcast_in_dim3A_91, %broadcast_in_dim3A_92 : vector<256x4096xi1>, vector<256x4096xf32>
    %reduce_sum3A_94 = arith.constant dense<0.000000e+00> : vector<4096xf32>
    %reduce_sum3A_95 = vector.multi_reduction <add>, %select_n3A_93, %reduce_sum3A_94 [0] : vector<256x4096xf32> to vector<4096xf32>
    %broadcast_in_dim3A_96 = vector.shape_cast %reduce_sum3A_95 : vector<4096xf32> to vector<1x4096xf32>
    %max3A_97 = arith.maximumf %broadcast_in_dim3A_29, %broadcast_in_dim3A_85 : vector<1x4096xf32>
    %add3A_98 = arith.addf %broadcast_in_dim3A_40, %broadcast_in_dim3A_96 : vector<1x4096xf32>
    %eq3A_99 = arith.constant 0 : i32
    %eq3A_100 = arith.cmpi eq, %arg0, %eq3A_99 : i32
    %convert_element_type3A_101 = arith.extui %eq3A_100 : i1 to i32
    %cond3A = arith.constant 0 : i32
    %cond3A_102 = arith.cmpi ne, %convert_element_type3A_101, %cond3A : i32
    scf.if %cond3A_102 {
      %swap3A_112 = arith.constant 0 : index
      %swap3A_113 = arith.constant 0 : index
      %swap3A_114 = vector.load %arg7[%swap3A_112, %swap3A_113] : memref<1x4096xf32, #tpu.memory_space<vmem>>, vector<1x4096xf32>
      tpu.vector_store %arg7[%swap3A_112, %swap3A_113], %max3A_97 {strides = array<i32>} : memref<1x4096xf32, #tpu.memory_space<vmem>>, vector<1x4096xf32>,
      %swap3A_115 = arith.constant 0 : index
      %swap3A_116 = arith.constant 0 : index
      %swap3A_117 = vector.load %arg6[%swap3A_115, %swap3A_116] : memref<1x4096xf32, #tpu.memory_space<vmem>>, vector<1x4096xf32>
      tpu.vector_store %arg6[%swap3A_115, %swap3A_116], %add3A_98 {strides = array<i32>} : memref<1x4096xf32, #tpu.memory_space<vmem>>, vector<1x4096xf32>,
    } else {
    }
    %gt3A = arith.constant 0 : i32
    %gt3A_103 = arith.cmpi sgt, %arg0, %gt3A : i32
    %convert_element_type3A_104 = arith.extui %gt3A_103 : i1 to i32
    %cond3A_105 = arith.constant 0 : i32
    %cond3A_106 = arith.cmpi ne, %convert_element_type3A_104, %cond3A_105 : i32
    scf.if %cond3A_106 {
      %get3A_112 = arith.constant 0 : index
      %get3A_113 = arith.constant 0 : index
      %get3A_114 = vector.load %arg7[%get3A_112, %get3A_113] : memref<1x4096xf32, #tpu.memory_space<vmem>>, vector<1x4096xf32>
      %max3A_115 = arith.maximumf %get3A_114, %max3A_97 : vector<1x4096xf32>
      %swap3A_116 = arith.constant 0 : index
      %swap3A_117 = arith.constant 0 : index
      %swap3A_118 = vector.load %arg7[%swap3A_116, %swap3A_117] : memref<1x4096xf32, #tpu.memory_space<vmem>>, vector<1x4096xf32>
      tpu.vector_store %arg7[%swap3A_116, %swap3A_117], %max3A_115 {strides = array<i32>} : memref<1x4096xf32, #tpu.memory_space<vmem>>, vector<1x4096xf32>,
      %get3A_119 = arith.constant 0 : index
      %get3A_120 = arith.constant 0 : index
      %get3A_121 = vector.load %arg6[%get3A_119, %get3A_120] : memref<1x4096xf32, #tpu.memory_space<vmem>>, vector<1x4096xf32>
      %add3A_122 = arith.addf %get3A_121, %add3A_98 : vector<1x4096xf32>
      %swap3A_123 = arith.constant 0 : index
      %swap3A_124 = arith.constant 0 : index
      %swap3A_125 = vector.load %arg6[%swap3A_123, %swap3A_124] : memref<1x4096xf32, #tpu.memory_space<vmem>>, vector<1x4096xf32>
      tpu.vector_store %arg6[%swap3A_123, %swap3A_124], %add3A_122 {strides = array<i32>} : memref<1x4096xf32, #tpu.memory_space<vmem>>, vector<1x4096xf32>,
    } else {
    }
    %eq3A_107 = arith.constant 7 : i32
    %eq3A_108 = arith.cmpi eq, %arg0, %eq3A_107 : i32
    %convert_element_type3A_109 = arith.extui %eq3A_108 : i1 to i32
    %cond3A_110 = arith.constant 0 : i32
    %cond3A_111 = arith.cmpi ne, %convert_element_type3A_109, %cond3A_110 : i32
    scf.if %cond3A_111 {
      %get3A_112 = arith.constant 0 : index
      %get3A_113 = arith.constant 0 : index
      %get3A_114 = vector.load %arg7[%get3A_112, %get3A_113] : memref<1x4096xf32, #tpu.memory_space<vmem>>, vector<1x4096xf32>
      %neg3A = arith.constant 0.000000e+00 : f32
      %neg3A_115 = vector.broadcast %neg3A : f32 to vector<1x4096xf32>
      %neg3A_116 = arith.subf %neg3A_115, %get3A_114 : vector<1x4096xf32>
      %exp3A_117 = math.exp %neg3A_116 : vector<1x4096xf32>
      %swap3A_118 = arith.constant 0 : index
      %swap3A_119 = arith.constant 0 : index
      %swap3A_120 = vector.load %arg5[%swap3A_118, %swap3A_119] : memref<1x4096xf32, #tpu.memory_space<vmem>>, vector<1x4096xf32>
      tpu.vector_store %arg5[%swap3A_118, %swap3A_119], %exp3A_117 {strides = array<i32>} : memref<1x4096xf32, #tpu.memory_space<vmem>>, vector<1x4096xf32>,
    } else {
    }
    return
  }
  func.func @transform_0(%arg0: i32) -> (i32, i32) {
    %c0_i32 = arith.constant 0 : i32
    %c0_i32_0 = arith.constant 0 : i32
    return %arg0, %c0_i32 : i32, i32
  }
  func.func @transform_1(%arg0: i32) -> (i32, i32) {
    %c0_i32 = arith.constant 0 : i32
    %c0_i32_0 = arith.constant 0 : i32
    %c0_i32_1 = arith.constant 0 : i32
    return %c0_i32, %c0_i32_0 : i32, i32
  }
  func.func @transform_2(%arg0: i32) -> (i32, i32) {
    %c0_i32 = arith.constant 0 : i32
    %c0_i32_0 = arith.constant 0 : i32
    return %arg0, %c0_i32 : i32, i32
  }
  func.func @transform_3(%arg0: i32) -> (i32, i32) {
    %c0_i32 = arith.constant 0 : i32
    %c0_i32_0 = arith.constant 0 : i32
    %c0_i32_1 = arith.constant 0 : i32
    return %c0_i32, %c0_i32_0 : i32, i32
  }
  func.func @transform_4(%arg0: i32) -> (i32, i32) {
    %c0_i32 = arith.constant 0 : i32
    %c0_i32_0 = arith.constant 0 : i32
    %c0_i32_1 = arith.constant 0 : i32
    return %c0_i32, %c0_i32_0 : i32, i32
  }
  func.func @transform_5(%arg0: i32) -> (i32, i32) {
    %c0_i32 = arith.constant 0 : i32
    %c0_i32_0 = arith.constant 0 : i32
    %c0_i32_1 = arith.constant 0 : i32
    return %c0_i32, %c0_i32_0 : i32, i32
  }
}

module attributes {stable_mosaic.version = 14 : i64} {
  func.func @_read_kernel(%arg0: i32, %arg1: memref<512x768xf32, #tpu.memory_space<vmem>>, %arg2: memref<4096x768xbf16, #tpu.memory_space<vmem>>, %arg3: memref<768x768xbf16, #tpu.memory_space<vmem>>, %arg4: memref<768x768xbf16, #tpu.memory_space<vmem>>, %arg5: memref<512x768xf32, #tpu.memory_space<vmem>>, %arg6: memref<1x1xf32, #tpu.memory_space<vmem>>) attributes {dimension_semantics = [#tpu.dimension_semantics<arbitrary>], iteration_bounds = array<i64: 8>, scalar_prefetch = 0 : i64, scratch_operands = 0 : i64, tpu.core_type = #tpu.core_type<tc>, window_params = [{transform_indices = @transform_0, window_bounds = array<i64: 512, 768>}, {pipeline_mode = #tpu.pipeline_mode<synchronous>, transform_indices = @transform_1, window_bounds = array<i64: 4096, 768>}, {pipeline_mode = #tpu.pipeline_mode<synchronous>, transform_indices = @transform_2, window_bounds = array<i64: 768, 768>}, {pipeline_mode = #tpu.pipeline_mode<synchronous>, transform_indices = @transform_3, window_bounds = array<i64: 768, 768>}, {transform_indices = @transform_4, window_bounds = array<i64: 512, 768>}, {pipeline_mode = #tpu.pipeline_mode<synchronous>, transform_indices = @transform_5, window_bounds = array<i64: 1, 1>}]} {
    %get3A = arith.constant 0 : index
    %get3A_0 = arith.constant 0 : index
    %get3A_1 = vector.load %arg2[%get3A, %get3A_0] : memref<4096x768xbf16, #tpu.memory_space<vmem>>, vector<4096x768xbf16>
    %get3A_2 = arith.constant 0 : index
    %get3A_3 = arith.constant 0 : index
    %get3A_4 = vector.load %arg1[%get3A_2, %get3A_3] : memref<512x768xf32, #tpu.memory_space<vmem>>, vector<256x768xf32>
    %mul3A = arith.mulf %get3A_4, %get3A_4 : vector<256x768xf32>
    %reduce_sum3A = arith.constant dense<0.000000e+00> : vector<256xf32>
    %reduce_sum3A_5 = vector.multi_reduction <add>, %mul3A, %reduce_sum3A [1] : vector<256x768xf32> to vector<256xf32>
    %broadcast_in_dim3A = vector.shape_cast %reduce_sum3A_5 : vector<256xf32> to vector<256x1xf32>
    %sqrt3A = math.sqrt %broadcast_in_dim3A : vector<256x1xf32>
    %max3A = arith.constant 9.99999996E-13 : f32
    %max3A_6 = vector.broadcast %max3A : f32 to vector<256x1xf32>
    %max3A_7 = arith.maximumf %sqrt3A, %max3A_6 : vector<256x1xf32>
    %div3A = vector.broadcast %max3A_7 : vector<256x1xf32> to vector<256x768xf32>
    %div3A_8 = arith.divf %get3A_4, %div3A : vector<256x768xf32>
    %convert_element_type3A = arith.truncf %div3A_8 : vector<256x768xf32> to vector<256x768xbf16>
    %dot_general3A = arith.constant dense<0.000000e+00> : vector<256x4096xf32>
    %dot_general3A_9 = tpu.matmul %convert_element_type3A, %get3A_1, %dot_general3A {dimension_numbers = #tpu.dot_dimension_numbers<[1], [1], [0], [0], [0, 0, 1, 0], [], []>, transpose_lhs_hint = false} : vector<256x768xbf16>, vector<4096x768xbf16>, vector<256x4096xf32> -> vector<256x4096xf32>
    %exp3A = math.exp %dot_general3A_9 : vector<256x4096xf32>
    %convert_element_type3A_10 = arith.truncf %exp3A : vector<256x4096xf32> to vector<256x4096xbf16>
    %reduce_sum3A_11 = arith.constant dense<0.000000e+00> : vector<256xf32>
    %reduce_sum3A_12 = vector.multi_reduction <add>, %exp3A, %reduce_sum3A_11 [1] : vector<256x4096xf32> to vector<256xf32>
    %broadcast_in_dim3A_13 = vector.shape_cast %reduce_sum3A_12 : vector<256xf32> to vector<256x1xf32>
    %dot_general3A_14 = arith.constant dense<0.000000e+00> : vector<256x768xf32>
    %dot_general3A_15 = tpu.matmul %convert_element_type3A_10, %get3A_1, %dot_general3A_14 {dimension_numbers = #tpu.dot_dimension_numbers<[1], [0], [0], [1], [0, 0, 1, 1], [], []>, transpose_lhs_hint = false} : vector<256x4096xbf16>, vector<4096x768xbf16>, vector<256x768xf32> -> vector<256x768xf32>
    %div3A_16 = vector.broadcast %broadcast_in_dim3A_13 : vector<256x1xf32> to vector<256x768xf32>
    %div3A_17 = arith.divf %dot_general3A_15, %div3A_16 : vector<256x768xf32>
    %convert_element_type3A_18 = arith.truncf %get3A_4 : vector<256x768xf32> to vector<256x768xbf16>
    %get3A_19 = arith.constant 0 : index
    %get3A_20 = arith.constant 0 : index
    %get3A_21 = vector.load %arg3[%get3A_19, %get3A_20] : memref<768x768xbf16, #tpu.memory_space<vmem>>, vector<768x768xbf16>
    %dot_general3A_22 = arith.constant dense<0.000000e+00> : vector<256x768xf32>
    %dot_general3A_23 = tpu.matmul %convert_element_type3A_18, %get3A_21, %dot_general3A_22 {dimension_numbers = #tpu.dot_dimension_numbers<[1], [1], [0], [0], [0, 0, 1, 0], [], []>, transpose_lhs_hint = false} : vector<256x768xbf16>, vector<768x768xbf16>, vector<256x768xf32> -> vector<256x768xf32>
    %convert_element_type3A_24 = arith.truncf %div3A_17 : vector<256x768xf32> to vector<256x768xbf16>
    %get3A_25 = arith.constant 0 : index
    %get3A_26 = arith.constant 0 : index
    %get3A_27 = vector.load %arg4[%get3A_25, %get3A_26] : memref<768x768xbf16, #tpu.memory_space<vmem>>, vector<768x768xbf16>
    %dot_general3A_28 = arith.constant dense<0.000000e+00> : vector<256x768xf32>
    %dot_general3A_29 = tpu.matmul %convert_element_type3A_24, %get3A_27, %dot_general3A_28 {dimension_numbers = #tpu.dot_dimension_numbers<[1], [1], [0], [0], [0, 0, 1, 0], [], []>, transpose_lhs_hint = false} : vector<256x768xbf16>, vector<768x768xbf16>, vector<256x768xf32> -> vector<256x768xf32>
    %add3A = arith.addf %dot_general3A_23, %dot_general3A_29 : vector<256x768xf32>
    %mul3A_30 = arith.constant 2.000000e-01 : f32
    %mul3A_31 = vector.broadcast %mul3A_30 : f32 to vector<256x768xf32>
    %mul3A_32 = arith.mulf %mul3A_31, %add3A : vector<256x768xf32>
    %add3A_33 = arith.addf %mul3A_32, %get3A_4 : vector<256x768xf32>
    %swap3A = arith.constant 0 : index
    %swap3A_34 = arith.constant 0 : index
    %swap3A_35 = vector.load %arg5[%swap3A, %swap3A_34] : memref<512x768xf32, #tpu.memory_space<vmem>>, vector<256x768xf32>
    tpu.vector_store %arg5[%swap3A, %swap3A_34], %add3A_33 {strides = array<i32>} : memref<512x768xf32, #tpu.memory_space<vmem>>, vector<256x768xf32>,
    %mul3A_36 = arith.mulf %add3A_33, %add3A_33 : vector<256x768xf32>
    %reduce_sum3A_37 = arith.constant dense<0.000000e+00> : vector<256xf32>
    %reduce_sum3A_38 = vector.multi_reduction <add>, %mul3A_36, %reduce_sum3A_37 [1] : vector<256x768xf32> to vector<256xf32>
    %broadcast_in_dim3A_39 = vector.shape_cast %reduce_sum3A_38 : vector<256xf32> to vector<256x1xf32>
    %sqrt3A_40 = math.sqrt %broadcast_in_dim3A_39 : vector<256x1xf32>
    %max3A_41 = arith.constant 9.99999996E-13 : f32
    %max3A_42 = vector.broadcast %max3A_41 : f32 to vector<256x1xf32>
    %max3A_43 = arith.maximumf %sqrt3A_40, %max3A_42 : vector<256x1xf32>
    %div3A_44 = vector.broadcast %max3A_43 : vector<256x1xf32> to vector<256x768xf32>
    %div3A_45 = arith.divf %add3A_33, %div3A_44 : vector<256x768xf32>
    %sub3A = arith.subf %div3A_45, %get3A_4 : vector<256x768xf32>
    %abs3A = math.absf %sub3A : vector<256x768xf32>
    %reduce_sum3A_46 = vector.shape_cast %abs3A : vector<256x768xf32> to vector<1x256x768xf32>
    %reduce_sum3A_47 = arith.constant dense<0.000000e+00> : vector<1xf32>
    %reduce_sum3A_48 = vector.multi_reduction <add>, %reduce_sum3A_46, %reduce_sum3A_47 [1, 2] : vector<1x256x768xf32> to vector<1xf32>
    %reduce_sum3A_49 = vector.shape_cast %reduce_sum3A_48 : vector<1xf32> to vector<1x1x1xf32>
    %reduce_sum3A_50 = vector.extract %reduce_sum3A_49[0, 0, 0] : f32 from vector<1x1x1xf32>
    %add3A_51 = arith.constant 0.000000e+00 : f32
    %add3A_52 = arith.addf %add3A_51, %reduce_sum3A_50 : f32
    %get3A_53 = arith.constant 256 : index
    %get3A_54 = arith.constant 0 : index
    %get3A_55 = vector.load %arg1[%get3A_53, %get3A_54] : memref<512x768xf32, #tpu.memory_space<vmem>>, vector<256x768xf32>
    %mul3A_56 = arith.mulf %get3A_55, %get3A_55 : vector<256x768xf32>
    %reduce_sum3A_57 = arith.constant dense<0.000000e+00> : vector<256xf32>
    %reduce_sum3A_58 = vector.multi_reduction <add>, %mul3A_56, %reduce_sum3A_57 [1] : vector<256x768xf32> to vector<256xf32>
    %broadcast_in_dim3A_59 = vector.shape_cast %reduce_sum3A_58 : vector<256xf32> to vector<256x1xf32>
    %sqrt3A_60 = math.sqrt %broadcast_in_dim3A_59 : vector<256x1xf32>
    %max3A_61 = arith.constant 9.99999996E-13 : f32
    %max3A_62 = vector.broadcast %max3A_61 : f32 to vector<256x1xf32>
    %max3A_63 = arith.maximumf %sqrt3A_60, %max3A_62 : vector<256x1xf32>
    %div3A_64 = vector.broadcast %max3A_63 : vector<256x1xf32> to vector<256x768xf32>
    %div3A_65 = arith.divf %get3A_55, %div3A_64 : vector<256x768xf32>
    %convert_element_type3A_66 = arith.truncf %div3A_65 : vector<256x768xf32> to vector<256x768xbf16>
    %dot_general3A_67 = arith.constant dense<0.000000e+00> : vector<256x4096xf32>
    %dot_general3A_68 = tpu.matmul %convert_element_type3A_66, %get3A_1, %dot_general3A_67 {dimension_numbers = #tpu.dot_dimension_numbers<[1], [1], [0], [0], [0, 0, 1, 0], [], []>, transpose_lhs_hint = false} : vector<256x768xbf16>, vector<4096x768xbf16>, vector<256x4096xf32> -> vector<256x4096xf32>
    %exp3A_69 = math.exp %dot_general3A_68 : vector<256x4096xf32>
    %convert_element_type3A_70 = arith.truncf %exp3A_69 : vector<256x4096xf32> to vector<256x4096xbf16>
    %reduce_sum3A_71 = arith.constant dense<0.000000e+00> : vector<256xf32>
    %reduce_sum3A_72 = vector.multi_reduction <add>, %exp3A_69, %reduce_sum3A_71 [1] : vector<256x4096xf32> to vector<256xf32>
    %broadcast_in_dim3A_73 = vector.shape_cast %reduce_sum3A_72 : vector<256xf32> to vector<256x1xf32>
    %dot_general3A_74 = arith.constant dense<0.000000e+00> : vector<256x768xf32>
    %dot_general3A_75 = tpu.matmul %convert_element_type3A_70, %get3A_1, %dot_general3A_74 {dimension_numbers = #tpu.dot_dimension_numbers<[1], [0], [0], [1], [0, 0, 1, 1], [], []>, transpose_lhs_hint = false} : vector<256x4096xbf16>, vector<4096x768xbf16>, vector<256x768xf32> -> vector<256x768xf32>
    %div3A_76 = vector.broadcast %broadcast_in_dim3A_73 : vector<256x1xf32> to vector<256x768xf32>
    %div3A_77 = arith.divf %dot_general3A_75, %div3A_76 : vector<256x768xf32>
    %convert_element_type3A_78 = arith.truncf %get3A_55 : vector<256x768xf32> to vector<256x768xbf16>
    %get3A_79 = arith.constant 0 : index
    %get3A_80 = arith.constant 0 : index
    %get3A_81 = vector.load %arg3[%get3A_79, %get3A_80] : memref<768x768xbf16, #tpu.memory_space<vmem>>, vector<768x768xbf16>
    %dot_general3A_82 = arith.constant dense<0.000000e+00> : vector<256x768xf32>
    %dot_general3A_83 = tpu.matmul %convert_element_type3A_78, %get3A_81, %dot_general3A_82 {dimension_numbers = #tpu.dot_dimension_numbers<[1], [1], [0], [0], [0, 0, 1, 0], [], []>, transpose_lhs_hint = false} : vector<256x768xbf16>, vector<768x768xbf16>, vector<256x768xf32> -> vector<256x768xf32>
    %convert_element_type3A_84 = arith.truncf %div3A_77 : vector<256x768xf32> to vector<256x768xbf16>
    %get3A_85 = arith.constant 0 : index
    %get3A_86 = arith.constant 0 : index
    %get3A_87 = vector.load %arg4[%get3A_85, %get3A_86] : memref<768x768xbf16, #tpu.memory_space<vmem>>, vector<768x768xbf16>
    %dot_general3A_88 = arith.constant dense<0.000000e+00> : vector<256x768xf32>
    %dot_general3A_89 = tpu.matmul %convert_element_type3A_84, %get3A_87, %dot_general3A_88 {dimension_numbers = #tpu.dot_dimension_numbers<[1], [1], [0], [0], [0, 0, 1, 0], [], []>, transpose_lhs_hint = false} : vector<256x768xbf16>, vector<768x768xbf16>, vector<256x768xf32> -> vector<256x768xf32>
    %add3A_90 = arith.addf %dot_general3A_83, %dot_general3A_89 : vector<256x768xf32>
    %mul3A_91 = arith.constant 2.000000e-01 : f32
    %mul3A_92 = vector.broadcast %mul3A_91 : f32 to vector<256x768xf32>
    %mul3A_93 = arith.mulf %mul3A_92, %add3A_90 : vector<256x768xf32>
    %add3A_94 = arith.addf %mul3A_93, %get3A_55 : vector<256x768xf32>
    %swap3A_95 = arith.constant 256 : index
    %swap3A_96 = arith.constant 0 : index
    %swap3A_97 = vector.load %arg5[%swap3A_95, %swap3A_96] : memref<512x768xf32, #tpu.memory_space<vmem>>, vector<256x768xf32>
    tpu.vector_store %arg5[%swap3A_95, %swap3A_96], %add3A_94 {strides = array<i32>} : memref<512x768xf32, #tpu.memory_space<vmem>>, vector<256x768xf32>,
    %mul3A_98 = arith.mulf %add3A_94, %add3A_94 : vector<256x768xf32>
    %reduce_sum3A_99 = arith.constant dense<0.000000e+00> : vector<256xf32>
    %reduce_sum3A_100 = vector.multi_reduction <add>, %mul3A_98, %reduce_sum3A_99 [1] : vector<256x768xf32> to vector<256xf32>
    %broadcast_in_dim3A_101 = vector.shape_cast %reduce_sum3A_100 : vector<256xf32> to vector<256x1xf32>
    %sqrt3A_102 = math.sqrt %broadcast_in_dim3A_101 : vector<256x1xf32>
    %max3A_103 = arith.constant 9.99999996E-13 : f32
    %max3A_104 = vector.broadcast %max3A_103 : f32 to vector<256x1xf32>
    %max3A_105 = arith.maximumf %sqrt3A_102, %max3A_104 : vector<256x1xf32>
    %div3A_106 = vector.broadcast %max3A_105 : vector<256x1xf32> to vector<256x768xf32>
    %div3A_107 = arith.divf %add3A_94, %div3A_106 : vector<256x768xf32>
    %sub3A_108 = arith.subf %div3A_107, %get3A_55 : vector<256x768xf32>
    %abs3A_109 = math.absf %sub3A_108 : vector<256x768xf32>
    %reduce_sum3A_110 = vector.shape_cast %abs3A_109 : vector<256x768xf32> to vector<1x256x768xf32>
    %reduce_sum3A_111 = arith.constant dense<0.000000e+00> : vector<1xf32>
    %reduce_sum3A_112 = vector.multi_reduction <add>, %reduce_sum3A_110, %reduce_sum3A_111 [1, 2] : vector<1x256x768xf32> to vector<1xf32>
    %reduce_sum3A_113 = vector.shape_cast %reduce_sum3A_112 : vector<1xf32> to vector<1x1x1xf32>
    %reduce_sum3A_114 = vector.extract %reduce_sum3A_113[0, 0, 0] : f32 from vector<1x1x1xf32>
    %add3A_115 = arith.addf %add3A_52, %reduce_sum3A_114 : f32
    %eq3A = arith.constant 0 : i32
    %eq3A_116 = arith.cmpi eq, %arg0, %eq3A : i32
    %convert_element_type3A_117 = arith.extui %eq3A_116 : i1 to i32
    %cond3A = arith.constant 0 : i32
    %cond3A_118 = arith.cmpi ne, %convert_element_type3A_117, %cond3A : i32
    scf.if %cond3A_118 {
      %broadcast_in_dim3A_126 = arith.constant 0.000000e+00 : f32
      %broadcast_in_dim3A_127 = vector.broadcast %broadcast_in_dim3A_126 : f32 to vector<1x1xf32>
      %swap3A_128 = arith.constant 0 : index
      %swap3A_129 = arith.constant 0 : index
      %swap3A_130 = vector.load %arg6[%swap3A_128, %swap3A_129] : memref<1x1xf32, #tpu.memory_space<vmem>>, vector<1x1xf32>
      tpu.vector_store %arg6[%swap3A_128, %swap3A_129], %broadcast_in_dim3A_127 {strides = array<i32>} : memref<1x1xf32, #tpu.memory_space<vmem>>, vector<1x1xf32>,
    } else {
    }
    %get3A_119 = arith.constant 0 : index
    %get3A_120 = arith.constant 0 : index
    %get3A_121 = vector.load %arg6[%get3A_119, %get3A_120] : memref<1x1xf32, #tpu.memory_space<vmem>>, vector<1x1xf32>
    %reshape3A = vector.broadcast %add3A_115 : f32 to vector<1x1xf32>
    %add3A_122 = arith.addf %get3A_121, %reshape3A : vector<1x1xf32>
    %swap3A_123 = arith.constant 0 : index
    %swap3A_124 = arith.constant 0 : index
    %swap3A_125 = vector.load %arg6[%swap3A_123, %swap3A_124] : memref<1x1xf32, #tpu.memory_space<vmem>>, vector<1x1xf32>
    tpu.vector_store %arg6[%swap3A_123, %swap3A_124], %add3A_122 {strides = array<i32>} : memref<1x1xf32, #tpu.memory_space<vmem>>, vector<1x1xf32>,
    return
  }
  func.func @transform_0(%arg0: i32) -> (i32, i32) {
    %c0_i32 = arith.constant 0 : i32
    %c0_i32_0 = arith.constant 0 : i32
    return %arg0, %c0_i32 : i32, i32
  }
  func.func @transform_1(%arg0: i32) -> (i32, i32) {
    %c0_i32 = arith.constant 0 : i32
    %c0_i32_0 = arith.constant 0 : i32
    %c0_i32_1 = arith.constant 0 : i32
    return %c0_i32, %c0_i32_0 : i32, i32
  }
  func.func @transform_2(%arg0: i32) -> (i32, i32) {
    %c0_i32 = arith.constant 0 : i32
    %c0_i32_0 = arith.constant 0 : i32
    %c0_i32_1 = arith.constant 0 : i32
    return %c0_i32, %c0_i32_0 : i32, i32
  }
  func.func @transform_3(%arg0: i32) -> (i32, i32) {
    %c0_i32 = arith.constant 0 : i32
    %c0_i32_0 = arith.constant 0 : i32
    %c0_i32_1 = arith.constant 0 : i32
    return %c0_i32, %c0_i32_0 : i32, i32
  }
  func.func @transform_4(%arg0: i32) -> (i32, i32) {
    %c0_i32 = arith.constant 0 : i32
    %c0_i32_0 = arith.constant 0 : i32
    return %arg0, %c0_i32 : i32, i32
  }
  func.func @transform_5(%arg0: i32) -> (i32, i32) {
    %c0_i32 = arith.constant 0 : i32
    %c0_i32_0 = arith.constant 0 : i32
    %c0_i32_1 = arith.constant 0 : i32
    return %c0_i32, %c0_i32_0 : i32, i32
  }
}

module attributes {stable_mosaic.version = 14 : i64} {
  func.func @_final_kernel(%arg0: i32, %arg1: memref<512x768xf32, #tpu.memory_space<vmem>>, %arg2: memref<1x512x128xf32, #tpu.memory_space<vmem>>, %arg3: memref<1x512x128xf32, #tpu.memory_space<vmem>>, %arg4: memref<1x512x128xf32, #tpu.memory_space<vmem>>, %arg5: memref<1x512x128xf32, #tpu.memory_space<vmem>>, %arg6: memref<1x512x128xf32, #tpu.memory_space<vmem>>, %arg7: memref<1x512x128xf32, #tpu.memory_space<vmem>>, %arg8: memref<1x4096xf32, #tpu.memory_space<vmem>>, %arg9: memref<1x4096xf32, #tpu.memory_space<vmem>>, %arg10: memref<512x768xf32, #tpu.memory_space<vmem>>) attributes {dimension_semantics = [#tpu.dimension_semantics<arbitrary>], iteration_bounds = array<i64: 8>, scalar_prefetch = 0 : i64, scratch_operands = 0 : i64, tpu.core_type = #tpu.core_type<tc>, window_params = [{transform_indices = @transform_0, window_bounds = array<i64: 512, 768>}, {transform_indices = @transform_1, window_bounds = array<i64: 1, 512, 128>}, {transform_indices = @transform_2, window_bounds = array<i64: 1, 512, 128>}, {transform_indices = @transform_3, window_bounds = array<i64: 1, 512, 128>}, {transform_indices = @transform_4, window_bounds = array<i64: 1, 512, 128>}, {transform_indices = @transform_5, window_bounds = array<i64: 1, 512, 128>}, {transform_indices = @transform_6, window_bounds = array<i64: 1, 512, 128>}, {pipeline_mode = #tpu.pipeline_mode<synchronous>, transform_indices = @transform_7, window_bounds = array<i64: 1, 4096>}, {pipeline_mode = #tpu.pipeline_mode<synchronous>, transform_indices = @transform_8, window_bounds = array<i64: 1, 4096>}, {transform_indices = @transform_9, window_bounds = array<i64: 512, 768>}]} {
    %get3A = arith.constant 0 : index
    %get3A_0 = arith.constant 0 : index
    %get3A_1 = vector.load %arg1[%get3A, %get3A_0] : memref<512x768xf32, #tpu.memory_space<vmem>>, vector<512x768xf32>
    %mul3A = arith.constant 512 : i32
    %mul3A_2 = arith.muli %arg0, %mul3A : i32
    %get3A_3 = arith.constant 0 : index
    %get3A_4 = arith.index_cast %mul3A_2 : i32 to index
    %get3A_5 = vector.load %arg9[%get3A_3, %get3A_4] : memref<1x4096xf32, #tpu.memory_space<vmem>>, vector<1x512xf32>
    %get3A_6 = vector.shape_cast %get3A_5 : vector<1x512xf32> to vector<512xf32>
    %mul3A_7 = arith.constant 512 : i32
    %mul3A_8 = arith.muli %arg0, %mul3A_7 : i32
    %get3A_9 = arith.constant 0 : index
    %get3A_10 = arith.index_cast %mul3A_8 : i32 to index
    %get3A_11 = vector.load %arg8[%get3A_9, %get3A_10] : memref<1x4096xf32, #tpu.memory_space<vmem>>, vector<1x512xf32>
    %get3A_12 = vector.shape_cast %get3A_11 : vector<1x512xf32> to vector<512xf32>
    %broadcast_in_dim3A = vector.shape_cast %get3A_6 : vector<512xf32> to vector<512x1xf32>
    %gt3A = arith.constant 0.000000e+00 : f32
    %gt3A_13 = vector.broadcast %gt3A : f32 to vector<512x1xf32>
    %gt3A_14 = arith.cmpf ogt, %broadcast_in_dim3A, %gt3A_13 : vector<512x1xf32>
    %broadcast_in_dim3A_15 = vector.shape_cast %get3A_12 : vector<512xf32> to vector<512x1xf32>
    %mul3A_16 = arith.constant 2.000000e-01 : f32
    %mul3A_17 = vector.broadcast %mul3A_16 : f32 to vector<512x1xf32>
    %mul3A_18 = arith.mulf %mul3A_17, %broadcast_in_dim3A_15 : vector<512x1xf32>
    %broadcast_in_dim3A_19 = arith.constant 0.000000e+00 : f32
    %broadcast_in_dim3A_20 = vector.broadcast %broadcast_in_dim3A_19 : f32 to vector<512x1xf32>
    %slice3A = vector.extract_strided_slice %get3A_1 {offsets = [0, 0], sizes = [512, 128], strides = [1, 1]} : vector<512x768xf32> to vector<512x128xf32>
    %mul3A_21 = arith.constant 8.000000e-01 : f32
    %mul3A_22 = vector.broadcast %mul3A_21 : f32 to vector<512x128xf32>
    %mul3A_23 = arith.mulf %mul3A_22, %slice3A : vector<512x128xf32>
    %get3A_24 = arith.constant 0 : index
    %get3A_25 = arith.constant 0 : index
    %get3A_26 = arith.constant 0 : index
    %get3A_27 = vector.load %arg2[%get3A_24, %get3A_25, %get3A_26] : memref<1x512x128xf32, #tpu.memory_space<vmem>>, vector<1x512x128xf32>
    %get3A_28 = vector.shape_cast %get3A_27 : vector<1x512x128xf32> to vector<512x128xf32>
    %mul3A_29 = vector.broadcast %mul3A_18 : vector<512x1xf32> to vector<512x128xf32>
    %mul3A_30 = arith.mulf %mul3A_29, %get3A_28 : vector<512x128xf32>
    %add3A = arith.addf %mul3A_23, %mul3A_30 : vector<512x128xf32>
    %slice3A_31 = vector.extract_strided_slice %get3A_1 {offsets = [0, 0], sizes = [512, 128], strides = [1, 1]} : vector<512x768xf32> to vector<512x128xf32>
    %broadcast_in_dim3A_32 = vector.shape_cast %gt3A_14 : vector<512x1xi1> to vector<512x1xi1>
    %broadcast_in_dim3A_33 = vector.broadcast %broadcast_in_dim3A_32 : vector<512x1xi1> to vector<512x128xi1>
    %select_n3A = arith.select %broadcast_in_dim3A_33, %add3A, %slice3A_31 : vector<512x128xi1>, vector<512x128xf32>
    %mul3A_34 = arith.mulf %select_n3A, %select_n3A : vector<512x128xf32>
    %reduce_sum3A = arith.constant dense<0.000000e+00> : vector<512xf32>
    %reduce_sum3A_35 = vector.multi_reduction <add>, %mul3A_34, %reduce_sum3A [1] : vector<512x128xf32> to vector<512xf32>
    %broadcast_in_dim3A_36 = vector.shape_cast %reduce_sum3A_35 : vector<512xf32> to vector<512x1xf32>
    %add3A_37 = arith.addf %broadcast_in_dim3A_20, %broadcast_in_dim3A_36 : vector<512x1xf32>
    %slice3A_38 = vector.extract_strided_slice %get3A_1 {offsets = [0, 128], sizes = [512, 128], strides = [1, 1]} : vector<512x768xf32> to vector<512x128xf32>
    %mul3A_39 = arith.constant 8.000000e-01 : f32
    %mul3A_40 = vector.broadcast %mul3A_39 : f32 to vector<512x128xf32>
    %mul3A_41 = arith.mulf %mul3A_40, %slice3A_38 : vector<512x128xf32>
    %get3A_42 = arith.constant 0 : index
    %get3A_43 = arith.constant 0 : index
    %get3A_44 = arith.constant 0 : index
    %get3A_45 = vector.load %arg3[%get3A_42, %get3A_43, %get3A_44] : memref<1x512x128xf32, #tpu.memory_space<vmem>>, vector<1x512x128xf32>
    %get3A_46 = vector.shape_cast %get3A_45 : vector<1x512x128xf32> to vector<512x128xf32>
    %mul3A_47 = vector.broadcast %mul3A_18 : vector<512x1xf32> to vector<512x128xf32>
    %mul3A_48 = arith.mulf %mul3A_47, %get3A_46 : vector<512x128xf32>
    %add3A_49 = arith.addf %mul3A_41, %mul3A_48 : vector<512x128xf32>
    %slice3A_50 = vector.extract_strided_slice %get3A_1 {offsets = [0, 128], sizes = [512, 128], strides = [1, 1]} : vector<512x768xf32> to vector<512x128xf32>
    %broadcast_in_dim3A_51 = vector.shape_cast %gt3A_14 : vector<512x1xi1> to vector<512x1xi1>
    %broadcast_in_dim3A_52 = vector.broadcast %broadcast_in_dim3A_51 : vector<512x1xi1> to vector<512x128xi1>
    %select_n3A_53 = arith.select %broadcast_in_dim3A_52, %add3A_49, %slice3A_50 : vector<512x128xi1>, vector<512x128xf32>
    %mul3A_54 = arith.mulf %select_n3A_53, %select_n3A_53 : vector<512x128xf32>
    %reduce_sum3A_55 = arith.constant dense<0.000000e+00> : vector<512xf32>
    %reduce_sum3A_56 = vector.multi_reduction <add>, %mul3A_54, %reduce_sum3A_55 [1] : vector<512x128xf32> to vector<512xf32>
    %broadcast_in_dim3A_57 = vector.shape_cast %reduce_sum3A_56 : vector<512xf32> to vector<512x1xf32>
    %add3A_58 = arith.addf %add3A_37, %broadcast_in_dim3A_57 : vector<512x1xf32>
    %slice3A_59 = vector.extract_strided_slice %get3A_1 {offsets = [0, 256], sizes = [512, 128], strides = [1, 1]} : vector<512x768xf32> to vector<512x128xf32>
    %mul3A_60 = arith.constant 8.000000e-01 : f32
    %mul3A_61 = vector.broadcast %mul3A_60 : f32 to vector<512x128xf32>
    %mul3A_62 = arith.mulf %mul3A_61, %slice3A_59 : vector<512x128xf32>
    %get3A_63 = arith.constant 0 : index
    %get3A_64 = arith.constant 0 : index
    %get3A_65 = arith.constant 0 : index
    %get3A_66 = vector.load %arg4[%get3A_63, %get3A_64, %get3A_65] : memref<1x512x128xf32, #tpu.memory_space<vmem>>, vector<1x512x128xf32>
    %get3A_67 = vector.shape_cast %get3A_66 : vector<1x512x128xf32> to vector<512x128xf32>
    %mul3A_68 = vector.broadcast %mul3A_18 : vector<512x1xf32> to vector<512x128xf32>
    %mul3A_69 = arith.mulf %mul3A_68, %get3A_67 : vector<512x128xf32>
    %add3A_70 = arith.addf %mul3A_62, %mul3A_69 : vector<512x128xf32>
    %slice3A_71 = vector.extract_strided_slice %get3A_1 {offsets = [0, 256], sizes = [512, 128], strides = [1, 1]} : vector<512x768xf32> to vector<512x128xf32>
    %broadcast_in_dim3A_72 = vector.shape_cast %gt3A_14 : vector<512x1xi1> to vector<512x1xi1>
    %broadcast_in_dim3A_73 = vector.broadcast %broadcast_in_dim3A_72 : vector<512x1xi1> to vector<512x128xi1>
    %select_n3A_74 = arith.select %broadcast_in_dim3A_73, %add3A_70, %slice3A_71 : vector<512x128xi1>, vector<512x128xf32>
    %mul3A_75 = arith.mulf %select_n3A_74, %select_n3A_74 : vector<512x128xf32>
    %reduce_sum3A_76 = arith.constant dense<0.000000e+00> : vector<512xf32>
    %reduce_sum3A_77 = vector.multi_reduction <add>, %mul3A_75, %reduce_sum3A_76 [1] : vector<512x128xf32> to vector<512xf32>
    %broadcast_in_dim3A_78 = vector.shape_cast %reduce_sum3A_77 : vector<512xf32> to vector<512x1xf32>
    %add3A_79 = arith.addf %add3A_58, %broadcast_in_dim3A_78 : vector<512x1xf32>
    %slice3A_80 = vector.extract_strided_slice %get3A_1 {offsets = [0, 384], sizes = [512, 128], strides = [1, 1]} : vector<512x768xf32> to vector<512x128xf32>
    %mul3A_81 = arith.constant 8.000000e-01 : f32
    %mul3A_82 = vector.broadcast %mul3A_81 : f32 to vector<512x128xf32>
    %mul3A_83 = arith.mulf %mul3A_82, %slice3A_80 : vector<512x128xf32>
    %get3A_84 = arith.constant 0 : index
    %get3A_85 = arith.constant 0 : index
    %get3A_86 = arith.constant 0 : index
    %get3A_87 = vector.load %arg5[%get3A_84, %get3A_85, %get3A_86] : memref<1x512x128xf32, #tpu.memory_space<vmem>>, vector<1x512x128xf32>
    %get3A_88 = vector.shape_cast %get3A_87 : vector<1x512x128xf32> to vector<512x128xf32>
    %mul3A_89 = vector.broadcast %mul3A_18 : vector<512x1xf32> to vector<512x128xf32>
    %mul3A_90 = arith.mulf %mul3A_89, %get3A_88 : vector<512x128xf32>
    %add3A_91 = arith.addf %mul3A_83, %mul3A_90 : vector<512x128xf32>
    %slice3A_92 = vector.extract_strided_slice %get3A_1 {offsets = [0, 384], sizes = [512, 128], strides = [1, 1]} : vector<512x768xf32> to vector<512x128xf32>
    %broadcast_in_dim3A_93 = vector.shape_cast %gt3A_14 : vector<512x1xi1> to vector<512x1xi1>
    %broadcast_in_dim3A_94 = vector.broadcast %broadcast_in_dim3A_93 : vector<512x1xi1> to vector<512x128xi1>
    %select_n3A_95 = arith.select %broadcast_in_dim3A_94, %add3A_91, %slice3A_92 : vector<512x128xi1>, vector<512x128xf32>
    %mul3A_96 = arith.mulf %select_n3A_95, %select_n3A_95 : vector<512x128xf32>
    %reduce_sum3A_97 = arith.constant dense<0.000000e+00> : vector<512xf32>
    %reduce_sum3A_98 = vector.multi_reduction <add>, %mul3A_96, %reduce_sum3A_97 [1] : vector<512x128xf32> to vector<512xf32>
    %broadcast_in_dim3A_99 = vector.shape_cast %reduce_sum3A_98 : vector<512xf32> to vector<512x1xf32>
    %add3A_100 = arith.addf %add3A_79, %broadcast_in_dim3A_99 : vector<512x1xf32>
    %slice3A_101 = vector.extract_strided_slice %get3A_1 {offsets = [0, 512], sizes = [512, 128], strides = [1, 1]} : vector<512x768xf32> to vector<512x128xf32>
    %mul3A_102 = arith.constant 8.000000e-01 : f32
    %mul3A_103 = vector.broadcast %mul3A_102 : f32 to vector<512x128xf32>
    %mul3A_104 = arith.mulf %mul3A_103, %slice3A_101 : vector<512x128xf32>
    %get3A_105 = arith.constant 0 : index
    %get3A_106 = arith.constant 0 : index
    %get3A_107 = arith.constant 0 : index
    %get3A_108 = vector.load %arg6[%get3A_105, %get3A_106, %get3A_107] : memref<1x512x128xf32, #tpu.memory_space<vmem>>, vector<1x512x128xf32>
    %get3A_109 = vector.shape_cast %get3A_108 : vector<1x512x128xf32> to vector<512x128xf32>
    %mul3A_110 = vector.broadcast %mul3A_18 : vector<512x1xf32> to vector<512x128xf32>
    %mul3A_111 = arith.mulf %mul3A_110, %get3A_109 : vector<512x128xf32>
    %add3A_112 = arith.addf %mul3A_104, %mul3A_111 : vector<512x128xf32>
    %slice3A_113 = vector.extract_strided_slice %get3A_1 {offsets = [0, 512], sizes = [512, 128], strides = [1, 1]} : vector<512x768xf32> to vector<512x128xf32>
    %broadcast_in_dim3A_114 = vector.shape_cast %gt3A_14 : vector<512x1xi1> to vector<512x1xi1>
    %broadcast_in_dim3A_115 = vector.broadcast %broadcast_in_dim3A_114 : vector<512x1xi1> to vector<512x128xi1>
    %select_n3A_116 = arith.select %broadcast_in_dim3A_115, %add3A_112, %slice3A_113 : vector<512x128xi1>, vector<512x128xf32>
    %mul3A_117 = arith.mulf %select_n3A_116, %select_n3A_116 : vector<512x128xf32>
    %reduce_sum3A_118 = arith.constant dense<0.000000e+00> : vector<512xf32>
    %reduce_sum3A_119 = vector.multi_reduction <add>, %mul3A_117, %reduce_sum3A_118 [1] : vector<512x128xf32> to vector<512xf32>
    %broadcast_in_dim3A_120 = vector.shape_cast %reduce_sum3A_119 : vector<512xf32> to vector<512x1xf32>
    %add3A_121 = arith.addf %add3A_100, %broadcast_in_dim3A_120 : vector<512x1xf32>
    %slice3A_122 = vector.extract_strided_slice %get3A_1 {offsets = [0, 640], sizes = [512, 128], strides = [1, 1]} : vector<512x768xf32> to vector<512x128xf32>
    %mul3A_123 = arith.constant 8.000000e-01 : f32
    %mul3A_124 = vector.broadcast %mul3A_123 : f32 to vector<512x128xf32>
    %mul3A_125 = arith.mulf %mul3A_124, %slice3A_122 : vector<512x128xf32>
    %get3A_126 = arith.constant 0 : index
    %get3A_127 = arith.constant 0 : index
    %get3A_128 = arith.constant 0 : index
    %get3A_129 = vector.load %arg7[%get3A_126, %get3A_127, %get3A_128] : memref<1x512x128xf32, #tpu.memory_space<vmem>>, vector<1x512x128xf32>
    %get3A_130 = vector.shape_cast %get3A_129 : vector<1x512x128xf32> to vector<512x128xf32>
    %mul3A_131 = vector.broadcast %mul3A_18 : vector<512x1xf32> to vector<512x128xf32>
    %mul3A_132 = arith.mulf %mul3A_131, %get3A_130 : vector<512x128xf32>
    %add3A_133 = arith.addf %mul3A_125, %mul3A_132 : vector<512x128xf32>
    %slice3A_134 = vector.extract_strided_slice %get3A_1 {offsets = [0, 640], sizes = [512, 128], strides = [1, 1]} : vector<512x768xf32> to vector<512x128xf32>
    %broadcast_in_dim3A_135 = vector.shape_cast %gt3A_14 : vector<512x1xi1> to vector<512x1xi1>
    %broadcast_in_dim3A_136 = vector.broadcast %broadcast_in_dim3A_135 : vector<512x1xi1> to vector<512x128xi1>
    %select_n3A_137 = arith.select %broadcast_in_dim3A_136, %add3A_133, %slice3A_134 : vector<512x128xi1>, vector<512x128xf32>
    %mul3A_138 = arith.mulf %select_n3A_137, %select_n3A_137 : vector<512x128xf32>
    %reduce_sum3A_139 = arith.constant dense<0.000000e+00> : vector<512xf32>
    %reduce_sum3A_140 = vector.multi_reduction <add>, %mul3A_138, %reduce_sum3A_139 [1] : vector<512x128xf32> to vector<512xf32>
    %broadcast_in_dim3A_141 = vector.shape_cast %reduce_sum3A_140 : vector<512xf32> to vector<512x1xf32>
    %add3A_142 = arith.addf %add3A_121, %broadcast_in_dim3A_141 : vector<512x1xf32>
    %sqrt3A = math.sqrt %add3A_142 : vector<512x1xf32>
    %max3A = arith.constant 9.99999996E-13 : f32
    %max3A_143 = vector.broadcast %max3A : f32 to vector<512x1xf32>
    %max3A_144 = arith.maximumf %sqrt3A, %max3A_143 : vector<512x1xf32>
    %div3A = arith.constant 1.000000e+00 : f32
    %div3A_145 = vector.broadcast %div3A : f32 to vector<512x1xf32>
    %div3A_146 = arith.divf %div3A_145, %max3A_144 : vector<512x1xf32>
    %mul3A_147 = vector.broadcast %div3A_146 : vector<512x1xf32> to vector<512x128xf32>
    %mul3A_148 = arith.mulf %select_n3A, %mul3A_147 : vector<512x128xf32>
    %swap3A = arith.constant 0 : index
    %swap3A_149 = arith.constant 0 : index
    %swap3A_150 = vector.load %arg10[%swap3A, %swap3A_149] : memref<512x768xf32, #tpu.memory_space<vmem>>, vector<512x128xf32>
    tpu.vector_store %arg10[%swap3A, %swap3A_149], %mul3A_148 {strides = array<i32>} : memref<512x768xf32, #tpu.memory_space<vmem>>, vector<512x128xf32>,
    %mul3A_151 = vector.broadcast %div3A_146 : vector<512x1xf32> to vector<512x128xf32>
    %mul3A_152 = arith.mulf %select_n3A_53, %mul3A_151 : vector<512x128xf32>
    %swap3A_153 = arith.constant 0 : index
    %swap3A_154 = arith.constant 128 : index
    %swap3A_155 = vector.load %arg10[%swap3A_153, %swap3A_154] : memref<512x768xf32, #tpu.memory_space<vmem>>, vector<512x128xf32>
    tpu.vector_store %arg10[%swap3A_153, %swap3A_154], %mul3A_152 {strides = array<i32>} : memref<512x768xf32, #tpu.memory_space<vmem>>, vector<512x128xf32>,
    %mul3A_156 = vector.broadcast %div3A_146 : vector<512x1xf32> to vector<512x128xf32>
    %mul3A_157 = arith.mulf %select_n3A_74, %mul3A_156 : vector<512x128xf32>
    %swap3A_158 = arith.constant 0 : index
    %swap3A_159 = arith.constant 256 : index
    %swap3A_160 = vector.load %arg10[%swap3A_158, %swap3A_159] : memref<512x768xf32, #tpu.memory_space<vmem>>, vector<512x128xf32>
    tpu.vector_store %arg10[%swap3A_158, %swap3A_159], %mul3A_157 {strides = array<i32>} : memref<512x768xf32, #tpu.memory_space<vmem>>, vector<512x128xf32>,
    %mul3A_161 = vector.broadcast %div3A_146 : vector<512x1xf32> to vector<512x128xf32>
    %mul3A_162 = arith.mulf %select_n3A_95, %mul3A_161 : vector<512x128xf32>
    %swap3A_163 = arith.constant 0 : index
    %swap3A_164 = arith.constant 384 : index
    %swap3A_165 = vector.load %arg10[%swap3A_163, %swap3A_164] : memref<512x768xf32, #tpu.memory_space<vmem>>, vector<512x128xf32>
    tpu.vector_store %arg10[%swap3A_163, %swap3A_164], %mul3A_162 {strides = array<i32>} : memref<512x768xf32, #tpu.memory_space<vmem>>, vector<512x128xf32>,
    %mul3A_166 = vector.broadcast %div3A_146 : vector<512x1xf32> to vector<512x128xf32>
    %mul3A_167 = arith.mulf %select_n3A_116, %mul3A_166 : vector<512x128xf32>
    %swap3A_168 = arith.constant 0 : index
    %swap3A_169 = arith.constant 512 : index
    %swap3A_170 = vector.load %arg10[%swap3A_168, %swap3A_169] : memref<512x768xf32, #tpu.memory_space<vmem>>, vector<512x128xf32>
    tpu.vector_store %arg10[%swap3A_168, %swap3A_169], %mul3A_167 {strides = array<i32>} : memref<512x768xf32, #tpu.memory_space<vmem>>, vector<512x128xf32>,
    %mul3A_171 = vector.broadcast %div3A_146 : vector<512x1xf32> to vector<512x128xf32>
    %mul3A_172 = arith.mulf %select_n3A_137, %mul3A_171 : vector<512x128xf32>
    %swap3A_173 = arith.constant 0 : index
    %swap3A_174 = arith.constant 640 : index
    %swap3A_175 = vector.load %arg10[%swap3A_173, %swap3A_174] : memref<512x768xf32, #tpu.memory_space<vmem>>, vector<512x128xf32>
    tpu.vector_store %arg10[%swap3A_173, %swap3A_174], %mul3A_172 {strides = array<i32>} : memref<512x768xf32, #tpu.memory_space<vmem>>, vector<512x128xf32>,
    return
  }
  func.func @transform_0(%arg0: i32) -> (i32, i32) {
    %c0_i32 = arith.constant 0 : i32
    %c0_i32_0 = arith.constant 0 : i32
    return %arg0, %c0_i32 : i32, i32
  }
  func.func @transform_1(%arg0: i32) -> (i32, i32, i32) {
    %c0_i32 = arith.constant 0 : i32
    %c0_i32_0 = arith.constant 0 : i32
    %c0_i32_1 = arith.constant 0 : i32
    return %c0_i32, %arg0, %c0_i32_0 : i32, i32, i32
  }
  func.func @transform_2(%arg0: i32) -> (i32, i32, i32) {
    %c1_i32 = arith.constant 1 : i32
    %c0_i32 = arith.constant 0 : i32
    %c0_i32_0 = arith.constant 0 : i32
    return %c1_i32, %arg0, %c0_i32 : i32, i32, i32
  }
  func.func @transform_3(%arg0: i32) -> (i32, i32, i32) {
    %c2_i32 = arith.constant 2 : i32
    %c0_i32 = arith.constant 0 : i32
    %c0_i32_0 = arith.constant 0 : i32
    return %c2_i32, %arg0, %c0_i32 : i32, i32, i32
  }
  func.func @transform_4(%arg0: i32) -> (i32, i32, i32) {
    %c3_i32 = arith.constant 3 : i32
    %c0_i32 = arith.constant 0 : i32
    %c0_i32_0 = arith.constant 0 : i32
    return %c3_i32, %arg0, %c0_i32 : i32, i32, i32
  }
  func.func @transform_5(%arg0: i32) -> (i32, i32, i32) {
    %c4_i32 = arith.constant 4 : i32
    %c0_i32 = arith.constant 0 : i32
    %c0_i32_0 = arith.constant 0 : i32
    return %c4_i32, %arg0, %c0_i32 : i32, i32, i32
  }
  func.func @transform_6(%arg0: i32) -> (i32, i32, i32) {
    %c5_i32 = arith.constant 5 : i32
    %c0_i32 = arith.constant 0 : i32
    %c0_i32_0 = arith.constant 0 : i32
    return %c5_i32, %arg0, %c0_i32 : i32, i32, i32
  }
  func.func @transform_7(%arg0: i32) -> (i32, i32) {
    %c0_i32 = arith.constant 0 : i32
    %c0_i32_0 = arith.constant 0 : i32
    %c0_i32_1 = arith.constant 0 : i32
    return %c0_i32, %c0_i32_0 : i32, i32
  }
  func.func @transform_8(%arg0: i32) -> (i32, i32) {
    %c0_i32 = arith.constant 0 : i32
    %c0_i32_0 = arith.constant 0 : i32
    %c0_i32_1 = arith.constant 0 : i32
    return %c0_i32, %c0_i32_0 : i32, i32
  }
  func.func @transform_9(%arg0: i32) -> (i32, i32) {
    %c0_i32 = arith.constant 0 : i32
    %c0_i32_0 = arith.constant 0 : i32
    return %arg0, %c0_i32 : i32, i32
  }
}

</mosaic_0001>

<sc_bundles>
// kernel: kernel.6.cloned.1.call-start
scs
__scs_entry_jumppad:
0x0: {  	(pc) =	sbr.rel $0x88, $3  }
0x1: {  	(tag) =	ssettag $0x0;
	lr =	simm.s32 $0x1  }
0x2: {  	[smem:$0x3F9D] =	sst lr;
	_ =	strace $0xD0000000  }
0x3: {  	_ = 	snop  }
0x4: {  	_ = 	snop  }
0x5: {  	_ = 	snop  }
0x6: {  	_ = 	snop  }
0x7: {  	_ = 	snop  }
__scs_overlays_trampoline_lowered:
0x8: {  	[smem:$0x3FAC] =	sst s0  }
0x9: {  	[smem:$0x3FAD] =	sst s1  }
0xa: {  	[smem:$0x3FAE] =	sst s2  }
0xb: {  	[smem:$0x3FAF] =	sst s3  }
0xc: {  	[smem:$0x3FB0] =	sst s4  }
0xd: {  	[smem:$0x3FB1] =	sst s5  }
0xe: {  	[smem:$0x3FB2] =	sst s6  }
0xf: {  	[smem:$0x3FB3] =	sst s7  }
0x10: {  	[smem:$0x3FB4] =	sst s8  }
0x11: {  	[smem:$0x3FB5] =	sst s9;
	s0 =	simm.s32 @!p0 $0x0  }
0x12: {  	s1 =	sld [smem:$0x3F9B];
	s0 =	simm.s32 @p0 $0x1  }
0x13: {  	[smem:$0x3FB6] =	sst s0;
	s0 =	simm.s32 @!p1 $0x0  }
0x14: {  	s2 =	sld [smem:$0x3F9A];
	s0 =	simm.s32 @p1 $0x1  }
0x15: {  	[smem:$0x3FB7] =	sst s0;
	s0 =	simm.s32 @!p2 $0x0  }
0x16: {  	s3 =	sld [smem:$0x3FDB];
	s0 =	simm.s32 @p2 $0x1  }
0x17: {  	s4 =	simm.s32 $0x1BF5;
	[smem:$0x3FB9] =	sst s0  }
0x18: {  	s0 =	sld [smem:$0x3F9C];
	_ =	swait.ge [sflag:s4], $0x0  }
0x19: {  	s7 =	sld [smem:$0x3F9D]  }
0x1a: {  	s8 =	sadd.s32 $0xFFFFE003, lr  }
0x1b: {  	s9 =	sadd.s32 $0xFFFFFEF7, lr;
	s5 =	simm.s32 $0xFFFFFFFF;
	p2 =	slt.u32 s8, $0xFFFFF086  }
0x1c: {  	p1 =	slt.u32 s9, $0xF7A;
	s5 =	simm.s32 @!p2 $0x0  }
0x1d: {  	s5 =	simm.s32 @p1 $0x1;
	p0 =	seq.s32 s7, s2  }
0x1e: {  	s7 =	smul.u32 @!p0 $0xF7A, s2;
	p2 =	seq.s32 @!p0 s5, $0x0  }
0x1f: {  	s9 =	smul.u32 $0xF7A, s1;
	s8 =	simm.s32 @!p0 $0x1BF5;
	p2 =	por !p2, p0  }
0x20: {  	[sflag:s8] =	ssyncset.s32 @!p0 $0xFFFFF086;
	s6 =	sadd.s32 @!p0 s3, s7;
	s7 =	simm.s32 @!p0 $0x108  }
0x21: {  	s3 =	sadd.s32 s3, s9;
	s6 =	sadd.s32 @!p0 $0x88, s6;
	s7 =	simm.s32 @p2 $0x1082  }
0x22: {  	[simem:s7], [sflag:s8] =	dma.local @!p0 [hbm:s6], $0xF7A  }
0x23: {  	s9 =	sor.u32 $0xD0000000, s2;
	s6 =	simm.s32 $0x108;
	_ =	swait.ge @!p0 [sflag:s8], $0x0  }
0x24: {  	s3 =	sadd.s32 $0x88, s3;
	s6 =	simm.s32 @!p1 $0x1082;
	[sflag:s4] =	ssyncset.s32 $0xFFFFF086  }
0x25: {  	[simem:s6], [sflag:s4] =	dma.local [hbm:s3], $0xF7A  }
0x26: {  	[smem:$0x3F9D] =	sst s1;
	(tag) =	ssettag s2;
	_ =	strace s9  }
0x27: {  	s1 =	sld [smem:$0x3FAD]  }
0x28: {  	s2 =	sld [smem:$0x3FAE]  }
0x29: {  	s4 =	sld [smem:$0x3FB0]  }
0x2a: {  	p0 =	seq.s32 s5, $0x0;
	s5 =	sld [smem:$0x3FB1]  }
0x2b: {  	s6 =	sld [smem:$0x3FB2]  }
0x2c: {  	s7 =	sld [smem:$0x3FB3]  }
0x2d: {  	s3 =	simm.s32 $0x108;
	s8 =	sld [smem:$0x3FB4]  }
0x2e: {  	s3 =	simm.s32 @!p0 $0x1082;
	s9 =	sld [smem:$0x3FB5]  }
0x2f: {  	lr =	sadd.s32 s0, s3;
	s0 =	sld [smem:$0x3FAC]  }
0x30: {  	s3 =	sld [smem:$0x3FAF]  }
0x31: {  	[smem:$0x3FB8] =	sst s10  }
0x32: {  	s10 =	sld [smem:$0x3FB6];
	_ =	sdelay $0x3  }
0x33: {  	p0 =	seq.s32 s10, $0x1;
	s10 =	sld [smem:$0x3FB8];
	_ =	sdelay $0x3  }
0x34: {  	[smem:$0x3FB8] =	sst s10  }
0x35: {  	s10 =	sld [smem:$0x3FB7];
	_ =	sdelay $0x3  }
0x36: {  	p1 =	seq.s32 s10, $0x1;
	s10 =	sld [smem:$0x3FB8];
	_ =	sdelay $0x3  }
0x37: {  	[smem:$0x3FB8] =	sst s10  }
0x38: {  	s10 =	sld [smem:$0x3FB9]  }
0x39: {  	_ = 	snop;
	(pc) =	sbr.ind lr, $3  }
0x3a: {  	_ = 	snop  }
0x3b: {  	_ = 	snop  }
0x3c: {  	p2 =	seq.s32 s10, $0x1;
	s10 =	sld [smem:$0x3FB8]  }
0x3d: {  	_ =	shalt  }
0x3e: {  	_ =	shalt  }
0x3f: {  	_ =	shalt  }
0x40: {  	_ =	shalt  }
0x41: {  	_ =	shalt  }
0x42: {  	_ =	shalt  }
0x43: {  	_ =	shalt  }
0x44: {  	_ =	shalt  }
0x45: {  	_ =	shalt  }
0x46: {  	_ =	shalt  }
0x47: {  	_ =	shalt  }
0x48: {  	_ =	shalt  }
0x49: {  	_ =	shalt  }
0x4a: {  	_ =	shalt  }
0x4b: {  	_ =	shalt  }
0x4c: {  	_ =	shalt  }
0x4d: {  	_ =	shalt  }
0x4e: {  	_ =	shalt  }
0x4f: {  	_ =	shalt  }
0x50: {  	_ =	shalt  }
0x51: {  	_ =	shalt  }
0x52: {  	_ =	shalt  }
0x53: {  	_ =	shalt  }
0x54: {  	_ =	shalt  }
0x55: {  	_ =	shalt  }
0x56: {  	_ =	shalt  }
0x57: {  	_ =	shalt  }
0x58: {  	_ =	shalt  }
0x59: {  	_ =	shalt  }
0x5a: {  	_ =	shalt  }
0x5b: {  	_ =	shalt  }
0x5c: {  	_ =	shalt  }
0x5d: {  	_ =	shalt  }
0x5e: {  	_ =	shalt  }
0x5f: {  	_ =	shalt  }
0x60: {  	_ =	shalt  }
0x61: {  	_ =	shalt  }
0x62: {  	_ =	shalt  }
0x63: {  	_ =	shalt  }
0x64: {  	_ =	shalt  }
0x65: {  	_ =	shalt  }
0x66: {  	_ =	shalt  }
0x67: {  	_ =	shalt  }
0x68: {  	_ =	shalt  }
0x69: {  	_ =	shalt  }
0x6a: {  	_ =	shalt  }
0x6b: {  	_ =	shalt  }
0x6c: {  	_ =	shalt  }
0x6d: {  	_ =	shalt  }
0x6e: {  	_ =	shalt  }
0x6f: {  	_ =	shalt  }
0x70: {  	_ =	shalt  }
0x71: {  	_ =	shalt  }
0x72: {  	_ =	shalt  }
0x73: {  	_ =	shalt  }
0x74: {  	_ =	shalt  }
0x75: {  	_ =	shalt  }
0x76: {  	_ =	shalt  }
0x77: {  	_ =	shalt  }
0x78: {  	_ =	shalt  }
0x79: {  	_ =	shalt  }
0x7a: {  	_ =	shalt  }
0x7b: {  	_ =	shalt  }
0x7c: {  	_ =	shalt  }
0x7d: {  	_ =	shalt  }
0x7e: {  	_ =	shalt  }
0x7f: {  	_ =	shalt  }
0x80: {  	_ =	shalt  }
0x81: {  	_ =	shalt  }
0x82: {  	_ =	shalt  }
0x83: {  	_ =	shalt  }
0x84: {  	_ =	shalt  }
0x85: {  	_ =	shalt  }
0x86: {  	_ =	shalt  }
0x87: {  	_ =	shalt  }
.Lfunc_end0:
.L_simem_size_0:
called_computation_lowered:
.L_overlay_start_0:
0x88: {  	s2 =	sld [smem:$0x3FD9]  }
0x89: {  	s3 =	sld [smem:$0x3FFE];
	_ =	sdelay $0x1  }
0x8a: {  	s1 =	srdreg.scid  }
0x8b: {  	s0 =	sand.u32 $0x1, s1  }
0x8c: {  	s14 =	sshll.u32 s0, $0xA;
	s2 =	sadd.s32 s3, s2  }
0x8d: {  	s2 =	sadd.s32 s2, s14  }
0x8e: {  	[smem:$0x3FC4] =	sst s2  }
0x8f: {  	_ = 	snop  }
0x90: {  	s2 =	sld [smem:$0x3FD0];
	_ =	sdelay $0x2  }
0x91: {  	s15 =	simm.s32 $0xA;
	s4 =	simm.s32 $0x10  }
0x92: {  	[smem:s4], [sflag:s15] =	dma.local [hbm:s2], $0x1  }
0x93: {  	_ =	swait.eq [sflag:s15], $0x1  }
0x94: {  	[sflag:s15] =	ssyncset.done $0x0  }
0x95: {  	[sflag:s15] =	ssyncadd.s32 $0xFFFFFFFF  }
0x96: {  	s16 =	sld [smem:$0x12];
	(tm) =	ssettm $0x1  }
0x97: {  	s17 =	sld [smem:$0x3FFB];
	_ =	sdelay $0x3  }
0x98: {  	_ =	strace s17  }
0x99: {  	s3 =	sld [smem:$0x3FFC];
	_ =	sdelay $0x3  }
0x9a: {  	_ =	strace s3  }
0x9b: {  	s3 =	sld [smem:$0x3FFD];
	_ =	sdelay $0x3  }
0x9c: {  	_ =	strace s3  }
0x9d: {  	_ =	strace $0x8FFFFFFF  }
0x9e: {  	s18 =	sld [smem:$0x3FDB];
	_ =	sdelay $0x1  }
0x9f: {  	s19 =	simm.s32 $_scs_section_size  }
0xa0: {  	s5 =	simm.s32 $_size__tile_overlayer_lowered;
	s6 =	simm.s32 $_tile_overlayer_lowered  }
0xa1: {  	s22 =	simm.s32 $0x1BFF;
	s21 =	sshll.u32 s6, $0x1;
	s3 =	sadd.s32 s19, s18  }
0xa2: {  	s7 =	simm.s32 $0x0;
	s20 =	sshll.u32 s5, $0x1;
	s5 =	sadd.s32 s21, s3  }
0xa3: {  	[timem:s7], [sflag:s22] =	dma.local [hbm:s5], s20  }
0xa4: {  	_ =	swait.ge [sflag:s22], s20  }
0xa5: {  	s4 =	ssub.s32 $0x0, s20;
	[sflag:s22] =	ssyncset.done $0x0  }
0xa6: {  	[sflag:s22] =	ssyncadd.s32 s4;
	_ =	sdelay $0x1  }
0xa7: {  	s23 =	simm.s32 $0x1B8B  }
0xa8: {  	_ =	swait.ge [sflag:s23], $0x1  }
0xa9: {  	[sflag:s23] =	ssyncset.done $0x0  }
0xaa: {  	s25 =	simm.s32 $0x1B8E;
	s24 =	sld [smem:$0x3FFE];
	[sflag:s23] =	ssyncadd.s32 $0xFFFFFFFF  }
0xab: {  	s26 =	simm.s32 $execute0_lowered;
	[smem:$0x3FD2] =	sst s25  }
0xac: {  	s5 =	sshll.u32 s26, $0x1;
	_ =	strace $0x80000046;
	[dreg:$0x1] =	wrdreg $0xFFFFFFFF  }
0xad: {  	s28 =	simm.s32 $_size_execute0_lowered;
	s3 =	sadd.s32 s3, s5;
	[dreg:$0x0] =	wrdreg $0x0  }
0xae: {  	s5 =	sshll.u32 s28, $0x1;
	[dreg:$0x2] =	wrdreg s3  }
0xaf: {  	[dreg:$0x3] =	wrdreg s5  }
0xb0: {  	[dreg:$0x4] =	wrdreg $0xC0  }
0xb1: {  	_ =	task [dreg:s7], $0x5FFFF  }
0xb2: {  	[dreg:$0x1] =	wrdreg $0xFFFFFFFF  }
0xb3: {  	[dreg:$0x0] =	wrdreg $0x60  }
0xb4: {  	[dreg:$0x2] =	wrdreg s16  }
0xb5: {  	[dreg:$0x3] =	wrdreg s24  }
0xb6: {  	[dreg:$0x4] =	wrdreg $0x101000  }
0xb7: {  	[dreg:$0x5] =	wrdreg $0x9  }
0xb8: {  	_ =	task.clear_ibuf [dreg:s7], $0x6FFFF;
	_ =	strace $0x90000046  }
0xb9: {  	s29 =	simm.s32 $0x9;
	_ =	strace $0x80000048  }
0xba: {  	_ =	swait.ge [sflag:s29], $0x1  }
0xbb: {  	[sflag:s29] =	ssyncadd.s32 $0xFFFFFFFF  }
0xbc: {  	_ =	strace $0x90000048  }
0xbd: {  	_ =	sfence  }
0xbe: {  	s30 =	sld [smem:$0x0];
	_ =	sdelay $0x2  }
0xbf: {  	s31 =	sshll.u32 s1, $0xD;
	s1 =	sshrl.u32 s1, $0x2  }
0xc0: {  	s3 =	sand.u32 $0x4000, s31;
	s1 =	sadd.s32 s1, s30  }
0xc1: {  	s0 =	sor.u32 s3, s0;
	s1 =	sshll.u32 s1, $0x11  }
0xc2: {  	s0 =	sor.u32 s1, s0  }
0xc3: {  	s0 =	sadd.s32 $0x8F2B, s0  }
0xc4: {  	[sflag:s0] =	ssyncadd.remote.s32 $0x1  }
0xc5: {  	_ =	sfence.sel $0xFFFF  }
0xc6: {  	[dreg:$0x0] =	wrdreg $0xFFFFFFFF;
	(pc) =	sbr.abs _section_cstart, $3  }
0xc7: {  	[dreg:$0x1] =	wrdreg $0xFFFFFFFF  }
0xc8: {  	_ =	task.clear_ibuf [dreg:s7], $0x2FFFF;
	_ =	strace $0x9FFFFFFF  }
0xc9: {  	(tm) =	ssettm $0x7FFFFFFF  }
tec
execute0_lowered:
.L_overlay_start_1:
0x0: {  	(tag) =	ssettag $0x1  }
0x1: {  	s11 =	rddreg [dreg:$0x0]  }
0x2: {  	s4 =	rddreg [dreg:$0x1]  }
0x3: {  	s1 =	rddreg [dreg:$0x2]  }
0x4: {  	s0 =	rddreg [dreg:$0x3]  }
0x5: {  	s3 =	simm.s32 $0x0;
	s5 =	srdreg.scid;
	s2 =	stileid.u32  }
0x6: {  	s18 =	simm.s32 $0x400;
	s19 =	simm.s32 $0x1800;
	s20 =	simm.s32 $0x80  }
0x7: {  	s21 =	simm.s32 $0x4000;
	s22 =	simm.s32 $0x0;
	[smem:$0x7FF] =	sst s3  }
0x8: {  	s5 =	sand.u32 $0x1, s5;
	s6 =	sshll.u32 s2, $0x5;
	s12 =	smul.u32 $0x30000, s2  }
0x9: {  	s13 =	sadd.s32 $0x2600, s4;
	s15 =	sshll.u32 s2, $0xF;
	s10 =	smul.u32 $0x3, s5  }
0xa: {  	_ =	strace $0x80000047;
	s7 =	ssub.s32 $0x2, s5;
	s30 =	smul.u32 $0xC00, s5  }
0xb: {  	s6 =	sadd.s32 s6, s4;
	s31 =	smul.u32 $0x180000, s5;
	s8 =	sshrl.u32 s7, $0x1  }
0xc: {  	s4 =	sadd.s32 $0x2400, s6;
	s5 =	sadd.s32 $0x2410, s6;
	s6 =	sadd.s32 s15, s1  }
0xd: {  	s14 =	ssub.s32 s7, s8;
	s16 =	sadd.s32 $0x1, s10;
	s7 =	sor.u32 s30, s12  }
0xe: {  	s8 =	sor.u32 s15, s31;
	s10 =	sadd.s32 $0x2, s10;
	s9 =	sshll.u32 s16, $0xA  }
0xf: {  	s7 =	sshrl.u32 s7, $0x3;
	s8 =	sshrl.u32 s8, $0x3;
	s16 =	sshll.u32 s16, $0x13  }
0x10: {  	s17 =	sshll.u32 s10, $0xA;
	s10 =	sshll.u32 s10, $0x13;
	s9 =	sor.u32 s12, s9  }
0x11: {  	s7 =	sadd.s32 s11, s7;
	s8 =	sadd.s32 s13, s8;
	s16 =	sor.u32 s15, s16  }
0x12: {  	s12 =	sor.u32 s12, s17;
	s15 =	sor.u32 s15, s10;
	s17 =	simm.s32 $0x8000  }
0x13: {  	s9 =	sshrl.u32 s9, $0x3;
	s16 =	sshrl.u32 s16, $0x3;
	s12 =	sshrl.u32 s12, $0x3  }
0x14: {  	s15 =	sshrl.u32 s15, $0x3;
	s9 =	sadd.s32 s11, s9;
	s10 =	sadd.s32 s13, s16  }
0x15: {  	s11 =	sadd.s32 s11, s12;
	s12 =	sadd.s32 s13, s15;
	s13 =	smax.u32 s14, $0x1  }
0x16: {  	v0 =	vimm.f32 $0.0e+00;
	s14 =	simm.s32 $0x10000;
	s15 =	simm.s32 $0x1;
	s16 =	simm.s32 $0x10080  }
.LBB2_1:
0x17: {  	[tilespmem:s14], [sflag:$0x1] =	stream.linear.gather [hbm4b:s4+s3], $0x80, $0x38;
	[tilespmem:$0x18100] =	vst v63  }
0x18: {  	_ =	swait.ge [sflag:s15], $0x80  }
0x19: {  	[sflag:s15] =	ssyncset.done $0x0  }
0x1a: {  	[sflag:s15] =	ssyncadd.s32 $0xFFFFFF80  }
0x1b: {  	[tilespmem:s16], [sflag:$0x1] =	stream.linear.gather [hbm4b:s5+s3], $0x80, $0x38;
	[tilespmem:$0x18100] =	vst v63  }
0x1c: {  	_ =	swait.ge [sflag:s15], $0x80  }
0x1d: {  	[sflag:s15] =	ssyncset.done $0x0  }
0x1e: {  	s23 =	simm.s32 $0x0;
	s24 =	simm.s32 $0x200;
	[sflag:s15] =	ssyncadd.s32 $0xFFFFFF80  }
.LBB2_2:
0x1f: {  	p0 =	sne.s32 s24, $0x1FE00;
	[tilespmem:s23+$0x8070] =	vst v0  }
0x20: {  	[tilespmem:s23+$0x8000] =	vst v0  }
0x21: {  	[tilespmem:s23+$0x8010] =	vst v0  }
.Ltmp0:
0x22: {  	[tilespmem:s23+$0x8020] =	vst v0;
	(pc) =	sbr.rel @p0 .LBB2_2-.Ltmp0, $4  }
0x23: {  	[tilespmem:s23+$0x8030] =	vst v0  }
0x24: {  	[tilespmem:s23+$0x8040] =	vst v0  }
0x25: {  	[tilespmem:s23+$0x8050] =	vst v0  }
0x26: {  	[tilespmem:s23+$0x8060] =	vst v0;
	s23 =	sshra.s32 s24, $0x2;
	s24 =	sadd.s32 $0x200, s24  }
0x27: {  	[tilespmem:s23+$0x8070] =	vst v0  }
0x28: {  	[tilespmem:s23+$0x8000] =	vst v0  }
0x29: {  	[tilespmem:s23+$0x8010] =	vst v0  }
0x2a: {  	[tilespmem:s23+$0x8020] =	vst v0  }
0x2b: {  	[tilespmem:s23+$0x8030] =	vst v0  }
0x2c: {  	[tilespmem:s23+$0x8040] =	vst v0  }
0x2d: {  	[tilespmem:s23+$0x8050] =	vst v0  }
0x2e: {  	[tilespmem:s23+$0x8060] =	vst v0  }
0x2f: {  	[spmem:s6] =	stream.linear.scatter [tilespmem:s17], [sflag:$0x1], $0x8000, $0x38;
	[tilespmem:$0x18100] =	vst v63  }
0x30: {  	_ =	swait.ge [sflag:s15], $0x8000  }
0x31: {  	[sflag:s15] =	ssyncset.done $0x0  }
0x32: {  	[sflag:s15] =	ssyncadd.s32 $0xFFFF8000  }
0x33: {  	[tilespmem:s3], [sflag:$0x1] =	stream.strided.gather [hbm4b:s7+s18], $0x8000, s19, s18, $0x38;
	[tilespmem:$0x18100] =	vst v63  }
0x34: {  	_ =	swait.ge [sflag:s15], $0x8000  }
0x35: {  	[sflag:s15] =	ssyncset.done $0x0  }
0x36: {  	[sflag:s15] =	ssyncadd.s32 $0xFFFF8000  }
0x37: {  	[bflag:$0x0] =	sbarrier.arrive $0xFFFF  }
0x38: {  	[spmem:s1] =	stream.indirect.scatter.add.f32 [tilespmem:s3], [sflag:$0x1], $0x80, s14, s20, $0xb8;
	[tilespmem:$0x18100] =	vst v63  }
0x39: {  	_ =	swait.ge [sflag:s15], $0x4000  }
0x3a: {  	[sflag:s15] =	ssyncset.done $0x0  }
0x3b: {  	[sflag:s15] =	ssyncadd.s32 $0xFFFFC000  }
0x3c: {  	[spmem:s1] =	stream.indirect.scatter.add.f32 [tilespmem:s21], [sflag:$0x1], $0x80, s16, s20, $0xb8;
	[tilespmem:$0x18100] =	vst v63  }
0x3d: {  	_ =	swait.ge [sflag:s15], $0x4000  }
0x3e: {  	[sflag:s15] =	ssyncset.done $0x0  }
0x3f: {  	s31 =	sshll.u32 s2, $0x6;
	[sflag:s15] =	ssyncadd.s32 $0xFFFFC000  }
0x40: {  	s24 =	sshrl.u32 s6, $0x3;
	s23 =	sor.u32 $0x1C01, s31;
	[bflag:$0x0] =	sbarrier.arrive $0xFFFF  }
0x41: {  	[hbm:s8], [sflag:s23] =	dma.local [spmem:s24], $0x1000  }
0x42: {  	_ =	swait.ge [sflag:s15], $0x1000  }
0x43: {  	[sflag:s15] =	ssyncset.done $0x0  }
0x44: {  	[sflag:s15] =	ssyncadd.s32 $0xFFFFF000  }
0x45: {  	[spmem:s6] =	stream.linear.scatter [tilespmem:s17], [sflag:$0x1], $0x8000, $0x38;
	[tilespmem:$0x18100] =	vst v63  }
0x46: {  	_ =	swait.ge [sflag:s15], $0x8000  }
0x47: {  	[sflag:s15] =	ssyncset.done $0x0  }
0x48: {  	[sflag:s15] =	ssyncadd.s32 $0xFFFF8000  }
0x49: {  	[tilespmem:s3], [sflag:$0x1] =	stream.strided.gather [hbm4b:s9+s18], $0x8000, s19, s18, $0x38;
	[tilespmem:$0x18100] =	vst v63  }
0x4a: {  	_ =	swait.ge [sflag:s15], $0x8000  }
0x4b: {  	[sflag:s15] =	ssyncset.done $0x0  }
0x4c: {  	[sflag:s15] =	ssyncadd.s32 $0xFFFF8000  }
0x4d: {  	[bflag:$0x0] =	sbarrier.arrive $0xFFFF  }
0x4e: {  	[spmem:s1] =	stream.indirect.scatter.add.f32 [tilespmem:s3], [sflag:$0x1], $0x80, s14, s20, $0xb8;
	[tilespmem:$0x18100] =	vst v63  }
0x4f: {  	_ =	swait.ge [sflag:s15], $0x4000  }
0x50: {  	[sflag:s15] =	ssyncset.done $0x0  }
0x51: {  	[sflag:s15] =	ssyncadd.s32 $0xFFFFC000  }
0x52: {  	[spmem:s1] =	stream.indirect.scatter.add.f32 [tilespmem:s21], [sflag:$0x1], $0x80, s16, s20, $0xb8;
	[tilespmem:$0x18100] =	vst v63  }
0x53: {  	_ =	swait.ge [sflag:s15], $0x4000  }
0x54: {  	[sflag:s15] =	ssyncset.done $0x0  }
0x55: {  	[sflag:s15] =	ssyncadd.s32 $0xFFFFC000  }
0x56: {  	[bflag:$0x0] =	sbarrier.arrive $0xFFFF  }
0x57: {  	[hbm:s10], [sflag:s23] =	dma.local [spmem:s24], $0x1000  }
0x58: {  	_ =	swait.ge [sflag:s15], $0x1000  }
0x59: {  	[sflag:s15] =	ssyncset.done $0x0  }
0x5a: {  	[sflag:s15] =	ssyncadd.s32 $0xFFFFF000  }
0x5b: {  	[spmem:s6] =	stream.linear.scatter [tilespmem:s17], [sflag:$0x1], $0x8000, $0x38;
	[tilespmem:$0x18100] =	vst v63  }
0x5c: {  	_ =	swait.ge [sflag:s15], $0x8000  }
0x5d: {  	[sflag:s15] =	ssyncset.done $0x0  }
0x5e: {  	[sflag:s15] =	ssyncadd.s32 $0xFFFF8000  }
0x5f: {  	[tilespmem:s3], [sflag:$0x1] =	stream.strided.gather [hbm4b:s11+s18], $0x8000, s19, s18, $0x38;
	[tilespmem:$0x18100] =	vst v63  }
0x60: {  	_ =	swait.ge [sflag:s15], $0x8000  }
0x61: {  	[sflag:s15] =	ssyncset.done $0x0  }
0x62: {  	[sflag:s15] =	ssyncadd.s32 $0xFFFF8000  }
0x63: {  	[bflag:$0x0] =	sbarrier.arrive $0xFFFF  }
0x64: {  	[spmem:s1] =	stream.indirect.scatter.add.f32 [tilespmem:s3], [sflag:$0x1], $0x80, s14, s20, $0xb8;
	[tilespmem:$0x18100] =	vst v63  }
0x65: {  	_ =	swait.ge [sflag:s15], $0x4000  }
0x66: {  	[sflag:s15] =	ssyncset.done $0x0  }
0x67: {  	[sflag:s15] =	ssyncadd.s32 $0xFFFFC000  }
0x68: {  	[spmem:s1] =	stream.indirect.scatter.add.f32 [tilespmem:s21], [sflag:$0x1], $0x80, s16, s20, $0xb8;
	[tilespmem:$0x18100] =	vst v63  }
0x69: {  	_ =	swait.ge [sflag:s15], $0x4000  }
0x6a: {  	s22 =	sadd.s32 $0x1, s22;
	[sflag:s15] =	ssyncset.done $0x0  }
0x6b: {  	p0 =	sne.s32 s22, s13;
	[sflag:s15] =	ssyncadd.s32 $0xFFFFC000  }
.Ltmp1:
0x6c: {  	[bflag:$0x0] =	sbarrier.arrive $0xFFFF;
	(pc) =	sbr.rel @p0 .LBB2_1-.Ltmp1, $4  }
0x6d: {  	[hbm:s12], [sflag:s23] =	dma.local [spmem:s24], $0x1000  }
0x6e: {  	_ =	swait.ge [sflag:s15], $0x1000  }
0x6f: {  	[sflag:s15] =	ssyncset.done $0x0  }
0x70: {  	[sflag:s15] =	ssyncadd.s32 $0xFFFFF000  }
0x71: {  	_ =	sfence.sel $0x180000  }
0x72: {  	[bflag:$0x0] =	sbarrier.arrive $0xFFFF  }
0x73: {  	p0 =	sne.s32 s2, $0x0;
	_ =	strace $0x90000047  }
0x74: {  	s0 =	sadd.s32 @!p0 $0x100000, s0;
	[bflag:$0x2] =	sbarrier.arrive $0xFFFF  }
0x75: {  	[sflag:s0] =	ssyncadd.tile.s32 @!p0 $0x1;
	_ =	shalt  }
.Lfunc_end2:
_tile_overlayer_lowered:
.L_overlay_start_2:
0x76: {  	(tag) =	ssettag $0x2  }
0x77: {  	s0 =	rddreg [dreg:$0x0];
	s2 =	stileid.u32  }
0x78: {  	s1 =	rddreg [dreg:$0x1];
	p0 =	sne.s32 s2, $0x0  }
0x79: {  	s3 =	rddreg [dreg:$0x2];
	[bflag:$0x3] =	sbarrier.arrive $0xFFFF;
	s2 =	simm.s32 @!p0 $0x1C01  }
0x7a: {  	[timem:s3], [sflag:s2] =	dma.local @!p0 [hbm:s0], s1  }
0x7b: {  	s0 =	simm.s32 @!p0 $0x1  }
0x7c: {  	_ =	swait.ge @!p0 [sflag:s0], s1  }
0x7d: {  	s1 =	ssub.s32 @!p0 $0x0, s1;
	[sflag:s0] =	ssyncset.done @!p0 $0x0  }
0x7e: {  	[sflag:s0] =	ssyncadd.s32 @!p0 s1  }
0x7f: {  	[bflag:$0x3] =	sbarrier.arrive $0xFFFF  }
0x80: {  	_ =	shalt  }

</sc_bundles>
